<compile_context>
chip_gen: v7x
topology: tpu7x:2x2x1
jax: 0.10.2.dev20260603
libtpu: 0.0.44.dev20260713+nightly
codegen_flags: <defaults>
</compile_context>

<pallas_src>
import functools

import jax
import jax.numpy as jnp
from jax import lax
from jax.experimental import pallas as pl
from jax.experimental.pallas import tpu as pltpu
from jax.experimental.pallas import tpu_sc as plsc

_NBUF = 3
_LEAD = 3
_RING = 6


def _make_gather_t(V, D, B0, B1):
    info = plsc.get_sparse_core_info()
    NC, NS, L = info.num_cores, info.num_subcores, info.num_lanes
    assert NC * NS == D and B0 % L == 0
    n_groups = B0 // L

    mesh = plsc.VectorSubcoreMesh(core_axis_name="c", subcore_axis_name="s")

    @functools.partial(
        pl.kernel,
        mesh=mesh,
        out_type=jax.ShapeDtypeStruct((B1, D, B0), jnp.float32),
        scratch_types=[
            pltpu.VMEM((V,), jnp.float32),
            [pltpu.VMEM((B0,), jnp.int32) for _ in range(_NBUF)],
            [pltpu.VMEM((B0,), jnp.float32) for _ in range(_NBUF)],
            pltpu.VMEM_SHARED((_RING * B0,), jnp.int32),
            [pltpu.SemaphoreType.DMA for _ in range(_NBUF)],
            [pltpu.SemaphoreType.DMA for _ in range(_NBUF)],
            pltpu.SemaphoreType.DMA,
        ],
        compiler_params=pltpu.CompilerParams(use_tc_tiling_on_sc=True,
                                             needs_layout_passes=False),
    )
    def gather_kernel(table_hbm, ct_hbm, out_hbm, row_v, idx_bufs, out_bufs,
                      ct_ring, idx_sems, out_sems, stage_sem):
        s = lax.axis_index("s")
        k = lax.axis_index("c") * NS + s

        def ring_slot(j):
            return ct_ring.at[pl.ds((j % _RING) * B0, B0)]

        def start_stage(j):
            pltpu.async_copy(ct_hbm.at[j], ring_slot(j), stage_sem)

        def wait_stage(j):
            pltpu.make_async_copy(ct_hbm.at[j], ring_slot(j),
                                  stage_sem).wait()

        def start_idx(j, b):
            pltpu.async_copy(ring_slot(j), idx_bufs[b], idx_sems[b])

        def wait_idx(j, b):
            pltpu.make_async_copy(ring_slot(j), idx_bufs[b],
                                  idx_sems[b]).wait()

        def start_out(j, b):
            pltpu.async_copy(out_bufs[b], out_hbm.at[j, k], out_sems[b])

        def wait_out(j, b):
            pltpu.make_async_copy(out_bufs[b], out_hbm.at[j, k],
                                  out_sems[b]).wait()

        def gather_row(b):
            idx_v, out_v = idx_bufs[b], out_bufs[b]

            @plsc.parallel_loop(0, n_groups, unroll=16)
            def _(g):
                idx16 = idx_v[pl.ds(g * L, L)]
                out_v[pl.ds(g * L, L)] = plsc.load_gather(row_v, [idx16])

        @pl.when(s == 0)
        def _():
            for j in range(2 * _LEAD - 1):
                start_stage(j)

        pltpu.sync_copy(table_hbm.at[k], row_v)

        @pl.when(s == 0)
        def _():
            for j in range(_NBUF - 1):
                wait_stage(j)

        plsc.subcore_barrier()
        for j in range(_NBUF - 1):
            start_idx(j, j)

        def body(i, carry):
            for p in range(2 * _NBUF):
                j = 2 * _NBUF * i + p
                b = p % _NBUF

                @pl.when((s == 0) & (j + _LEAD - 1 < B1))
                def _():
                    wait_stage(j + _LEAD - 1)

                plsc.subcore_barrier()

                @pl.when((s == 0) & (j + 2 * _LEAD - 1 < B1))
                def _():
                    start_stage(j + 2 * _LEAD - 1)

                @pl.when(j + _NBUF - 1 < B1)
                def _():
                    start_idx(j + _NBUF - 1, (p + _NBUF - 1) % _NBUF)

                wait_idx(j, b)

                if p >= _NBUF:
                    wait_out(j - _NBUF, b)
                else:
                    @pl.when(i > 0)
                    def _():
                        wait_out(j - _NBUF, b)

                gather_row(b)
                start_out(j, b)
            return carry

        n_iters = B1 // (2 * _NBUF)
        lax.fori_loop(0, n_iters, body, 0)
        rem = B1 - n_iters * 2 * _NBUF
        for p in range(rem):
            j = n_iters * 2 * _NBUF + p
            b = j % _NBUF

            @pl.when((s == 0) & (j + _LEAD - 1 < B1))
            def _():
                wait_stage(j + _LEAD - 1)

            plsc.subcore_barrier()

            @pl.when(j + _NBUF - 1 < B1)
            def _():
                start_idx(j + _NBUF - 1, (j + _NBUF - 1) % _NBUF)

            wait_idx(j, b)
            wait_out(j - _NBUF, b)
            gather_row(b)
            start_out(j, b)
        for j in range(B1 - _NBUF, B1):
            wait_out(j, j % _NBUF)

    return gather_kernel


def kernel(cell_types, table):
    B0, B1 = cell_types.shape
    V, D = table.shape
    ct_t = jnp.transpose(cell_types.astype(jnp.int32))
    table_t = jnp.transpose(table)
    out_t = _make_gather_t(V, D, B0, B1)(table_t, ct_t)
    return jnp.transpose(out_t, (2, 0, 1))

# --- scband reference (transcript-rebuilt; emitter-appended) ---
"""Pipeline reference for scband-cell-type-embedding-2250562863813 (READ-ONLY COPY).

The authoritative reference and input builder live on the scoring server;
editing this copy changes nothing except your own understanding.
"""

import jax, jax.numpy as jnp
import numpy as np

N_TYPES = 100000
N_HIDDEN = 32

def setup_inputs(seed: int = 0) -> dict:
    key = jax.random.key(seed)
    k1, k2 = jax.random.split(key)
    cell_types = jax.random.randint(k1, (4096, 200), 0, N_TYPES, dtype=jnp.int64 if jax.config.jax_enable_x64 else jnp.int32)
    # nn.Embedding default init: N(0, 1)
    table = jax.random.normal(k2, (N_TYPES, N_HIDDEN), dtype=jnp.float32)
    return {"cell_types": cell_types, "table": table}

def reference(cell_types, table):
    # Faithful to nn.Embedding: row gather
    return jnp.take(table, cell_types, axis=0)

if __name__ == "__main__":
    import jax
    _d = setup_inputs()
    print(jax.jit(kernel)(*tuple(_d.values())))

</pallas_src>

<mosaic_0001>
#map = affine_map<(d0, d1) -> (0, 0)>
#map1 = affine_map<(d0, d1) -> (0, 0, 0)>
module attributes {stable_mosaic.version = 14 : i64} {
  func.func @gather_kernel(%arg0: i32, %arg1: i32, %arg2: memref<32x100000xf32, #tpu.memory_space<hbm>>, %arg3: memref<200x4096xi32, #tpu.memory_space<hbm>>, %arg4: memref<200x32x4096xf32, #tpu.memory_space<hbm>>, %arg5: memref<100000xf32, #tpu.memory_space<vmem>>, %arg6: memref<4096xi32, #tpu.memory_space<vmem>>, %arg7: memref<4096xi32, #tpu.memory_space<vmem>>, %arg8: memref<4096xi32, #tpu.memory_space<vmem>>, %arg9: memref<4096xf32, #tpu.memory_space<vmem>>, %arg10: memref<4096xf32, #tpu.memory_space<vmem>>, %arg11: memref<4096xf32, #tpu.memory_space<vmem>>, %arg12: memref<24576xi32, #tpu.memory_space<vmem_shared>>, %arg13: memref<!tpu.dma_semaphore, #tpu.memory_space<semaphore_mem>>, %arg14: memref<!tpu.dma_semaphore, #tpu.memory_space<semaphore_mem>>, %arg15: memref<!tpu.dma_semaphore, #tpu.memory_space<semaphore_mem>>, %arg16: memref<!tpu.dma_semaphore, #tpu.memory_space<semaphore_mem>>, %arg17: memref<!tpu.dma_semaphore, #tpu.memory_space<semaphore_mem>>, %arg18: memref<!tpu.dma_semaphore, #tpu.memory_space<semaphore_mem>>, %arg19: memref<!tpu.dma_semaphore, #tpu.memory_space<semaphore_mem>>) attributes {dimension_semantics = [#tpu.dimension_semantics<core_parallel>, #tpu.dimension_semantics<subcore_parallel>], iteration_bounds = array<i64: 2, 16>, scalar_prefetch = 0 : i64, scratch_operands = 15 : i64, tpu.core_type = #tpu.core_type<sc_vector_subcore>, window_params = [{transform_indices = #map}, {transform_indices = #map}, {transform_indices = #map1}]} {
    %mul3A = arith.constant 16 : i32
    %mul3A_0 = arith.muli %arg0, %mul3A : i32
    %add3A = arith.addi %mul3A_0, %arg1 : i32
    %eq3A = arith.constant 0 : i32
    %eq3A_1 = arith.cmpi eq, %arg1, %eq3A : i32
    %convert_element_type3A = arith.extui %eq3A_1 : i1 to i32
    %cond3A = arith.constant 0 : i32
    %cond3A_2 = arith.cmpi ne, %convert_element_type3A, %cond3A : i32
    scf.if %cond3A_2 {
      %dma_start3A_96 = arith.constant 0 : i32
      %dma_start3A_97 = arith.constant 0 : i32
      %dma_start3A_98 = tpu.memref_slice %arg12[%dma_start3A_97] : memref<24576xi32, #tpu.memory_space<vmem_shared>> -> memref<4096xi32, #tpu.memory_space<vmem_shared>>
      %dma_start3A_99 = arith.constant 0 : i32
      %dma_start3A_100 = tpu.memref_slice %arg3[%dma_start3A_96, %dma_start3A_99] : memref<200x4096xi32, #tpu.memory_space<hbm>> -> memref<1x4096xi32, #tpu.memory_space<hbm>>
      %dma_start3A_101 = tpu.memref_squeeze %dma_start3A_100 : memref<1x4096xi32, #tpu.memory_space<hbm>> -> memref<4096xi32, #tpu.memory_space<hbm>>
      tpu.enqueue_dma source(%dma_start3A_101 : memref<4096xi32, #tpu.memory_space<hbm>>) target(%dma_start3A_98 : memref<4096xi32, #tpu.memory_space<vmem_shared>>) target_semaphore(%arg19 : memref<!tpu.dma_semaphore, #tpu.memory_space<semaphore_mem>>)
      %dma_start3A_102 = arith.constant 1 : i32
      %dma_start3A_103 = arith.constant 4096 : i32
      %dma_start3A_104 = tpu.memref_slice %arg12[%dma_start3A_103] : memref<24576xi32, #tpu.memory_space<vmem_shared>> -> memref<4096xi32, #tpu.memory_space<vmem_shared>>
      %dma_start3A_105 = arith.constant 0 : i32
      %dma_start3A_106 = tpu.memref_slice %arg3[%dma_start3A_102, %dma_start3A_105] : memref<200x4096xi32, #tpu.memory_space<hbm>> -> memref<1x4096xi32, #tpu.memory_space<hbm>>
      %dma_start3A_107 = tpu.memref_squeeze %dma_start3A_106 : memref<1x4096xi32, #tpu.memory_space<hbm>> -> memref<4096xi32, #tpu.memory_space<hbm>>
      tpu.enqueue_dma source(%dma_start3A_107 : memref<4096xi32, #tpu.memory_space<hbm>>) target(%dma_start3A_104 : memref<4096xi32, #tpu.memory_space<vmem_shared>>) target_semaphore(%arg19 : memref<!tpu.dma_semaphore, #tpu.memory_space<semaphore_mem>>)
      %dma_start3A_108 = arith.constant 2 : i32
      %dma_start3A_109 = arith.constant 8192 : i32
      %dma_start3A_110 = tpu.memref_slice %arg12[%dma_start3A_109] : memref<24576xi32, #tpu.memory_space<vmem_shared>> -> memref<4096xi32, #tpu.memory_space<vmem_shared>>
      %dma_start3A_111 = arith.constant 0 : i32
      %dma_start3A_112 = tpu.memref_slice %arg3[%dma_start3A_108, %dma_start3A_111] : memref<200x4096xi32, #tpu.memory_space<hbm>> -> memref<1x4096xi32, #tpu.memory_space<hbm>>
      %dma_start3A_113 = tpu.memref_squeeze %dma_start3A_112 : memref<1x4096xi32, #tpu.memory_space<hbm>> -> memref<4096xi32, #tpu.memory_space<hbm>>
      tpu.enqueue_dma source(%dma_start3A_113 : memref<4096xi32, #tpu.memory_space<hbm>>) target(%dma_start3A_110 : memref<4096xi32, #tpu.memory_space<vmem_shared>>) target_semaphore(%arg19 : memref<!tpu.dma_semaphore, #tpu.memory_space<semaphore_mem>>)
      %dma_start3A_114 = arith.constant 3 : i32
      %dma_start3A_115 = arith.constant 12288 : i32
      %dma_start3A_116 = tpu.memref_slice %arg12[%dma_start3A_115] : memref<24576xi32, #tpu.memory_space<vmem_shared>> -> memref<4096xi32, #tpu.memory_space<vmem_shared>>
      %dma_start3A_117 = arith.constant 0 : i32
      %dma_start3A_118 = tpu.memref_slice %arg3[%dma_start3A_114, %dma_start3A_117] : memref<200x4096xi32, #tpu.memory_space<hbm>> -> memref<1x4096xi32, #tpu.memory_space<hbm>>
      %dma_start3A_119 = tpu.memref_squeeze %dma_start3A_118 : memref<1x4096xi32, #tpu.memory_space<hbm>> -> memref<4096xi32, #tpu.memory_space<hbm>>
      tpu.enqueue_dma source(%dma_start3A_119 : memref<4096xi32, #tpu.memory_space<hbm>>) target(%dma_start3A_116 : memref<4096xi32, #tpu.memory_space<vmem_shared>>) target_semaphore(%arg19 : memref<!tpu.dma_semaphore, #tpu.memory_space<semaphore_mem>>)
      %dma_start3A_120 = arith.constant 4 : i32
      %dma_start3A_121 = arith.constant 16384 : i32
      %dma_start3A_122 = tpu.memref_slice %arg12[%dma_start3A_121] : memref<24576xi32, #tpu.memory_space<vmem_shared>> -> memref<4096xi32, #tpu.memory_space<vmem_shared>>
      %dma_start3A_123 = arith.constant 0 : i32
      %dma_start3A_124 = tpu.memref_slice %arg3[%dma_start3A_120, %dma_start3A_123] : memref<200x4096xi32, #tpu.memory_space<hbm>> -> memref<1x4096xi32, #tpu.memory_space<hbm>>
      %dma_start3A_125 = tpu.memref_squeeze %dma_start3A_124 : memref<1x4096xi32, #tpu.memory_space<hbm>> -> memref<4096xi32, #tpu.memory_space<hbm>>
      tpu.enqueue_dma source(%dma_start3A_125 : memref<4096xi32, #tpu.memory_space<hbm>>) target(%dma_start3A_122 : memref<4096xi32, #tpu.memory_space<vmem_shared>>) target_semaphore(%arg19 : memref<!tpu.dma_semaphore, #tpu.memory_space<semaphore_mem>>)
    } else {
    }
    "tpu.region"() ({
      %run_scoped3A = tpu.sem_alloc : memref<!tpu.dma_semaphore, #tpu.memory_space<semaphore_mem>>
      %dma_start3A_96 = arith.constant 0 : i32
      %dma_start3A_97 = tpu.memref_slice %arg2[%add3A, %dma_start3A_96] : memref<32x100000xf32, #tpu.memory_space<hbm>> -> memref<1x100000xf32, #tpu.memory_space<hbm>>
      %dma_start3A_98 = tpu.memref_squeeze %dma_start3A_97 : memref<1x100000xf32, #tpu.memory_space<hbm>> -> memref<100000xf32, #tpu.memory_space<hbm>>
      %dma_start3A_99 = arith.constant 0 : i32
      %dma_start3A_100 = tpu.memref_slice %arg2[%add3A, %dma_start3A_99] : memref<32x100000xf32, #tpu.memory_space<hbm>> -> memref<1x100000xf32, #tpu.memory_space<hbm>>
      %dma_start3A_101 = tpu.memref_squeeze %dma_start3A_100 : memref<1x100000xf32, #tpu.memory_space<hbm>> -> memref<100000xf32, #tpu.memory_space<hbm>>
      tpu.enqueue_dma source(%dma_start3A_101 : memref<100000xf32, #tpu.memory_space<hbm>>) target(%arg5 : memref<100000xf32, #tpu.memory_space<vmem>>) target_semaphore(%run_scoped3A : memref<!tpu.dma_semaphore, #tpu.memory_space<semaphore_mem>>)
      %dma_wait3A_102 = arith.constant 0 : i32
      %dma_wait3A_103 = tpu.memref_slice %arg2[%add3A, %dma_wait3A_102] : memref<32x100000xf32, #tpu.memory_space<hbm>> -> memref<1x100000xf32, #tpu.memory_space<hbm>>
      %dma_wait3A_104 = tpu.memref_squeeze %dma_wait3A_103 : memref<1x100000xf32, #tpu.memory_space<hbm>> -> memref<100000xf32, #tpu.memory_space<hbm>>
      %dma_wait3A_105 = arith.constant 0 : i32
      %dma_wait3A_106 = tpu.memref_slice %arg2[%add3A, %dma_wait3A_105] : memref<32x100000xf32, #tpu.memory_space<hbm>> -> memref<1x100000xf32, #tpu.memory_space<hbm>>
      %dma_wait3A_107 = tpu.memref_squeeze %dma_wait3A_106 : memref<1x100000xf32, #tpu.memory_space<hbm>> -> memref<100000xf32, #tpu.memory_space<hbm>>
      tpu.wait_dma2 semaphore(%run_scoped3A : memref<!tpu.dma_semaphore, #tpu.memory_space<semaphore_mem>>) src(%dma_wait3A_107 : memref<100000xf32, #tpu.memory_space<hbm>>) dst(%arg5 : memref<100000xf32, #tpu.memory_space<vmem>>)
      tpu.yield
    }) : () -> ()
    %eq3A_3 = arith.constant 0 : i32
    %eq3A_4 = arith.cmpi eq, %arg1, %eq3A_3 : i32
    %convert_element_type3A_5 = arith.extui %eq3A_4 : i1 to i32
    %cond3A_6 = arith.constant 0 : i32
    %cond3A_7 = arith.cmpi ne, %convert_element_type3A_5, %cond3A_6 : i32
    scf.if %cond3A_7 {
      %dma_wait3A_96 = arith.constant 0 : i32
      %dma_wait3A_97 = arith.constant 0 : i32
      %dma_wait3A_98 = tpu.memref_slice %arg12[%dma_wait3A_97] : memref<24576xi32, #tpu.memory_space<vmem_shared>> -> memref<4096xi32, #tpu.memory_space<vmem_shared>>
      %dma_wait3A_99 = arith.constant 0 : i32
      %dma_wait3A_100 = tpu.memref_slice %arg3[%dma_wait3A_96, %dma_wait3A_99] : memref<200x4096xi32, #tpu.memory_space<hbm>> -> memref<1x4096xi32, #tpu.memory_space<hbm>>
      %dma_wait3A_101 = tpu.memref_squeeze %dma_wait3A_100 : memref<1x4096xi32, #tpu.memory_space<hbm>> -> memref<4096xi32, #tpu.memory_space<hbm>>
      tpu.wait_dma2 semaphore(%arg19 : memref<!tpu.dma_semaphore, #tpu.memory_space<semaphore_mem>>) src(%dma_wait3A_101 : memref<4096xi32, #tpu.memory_space<hbm>>) dst(%dma_wait3A_98 : memref<4096xi32, #tpu.memory_space<vmem_shared>>)
      %dma_wait3A_102 = arith.constant 1 : i32
      %dma_wait3A_103 = arith.constant 4096 : i32
      %dma_wait3A_104 = tpu.memref_slice %arg12[%dma_wait3A_103] : memref<24576xi32, #tpu.memory_space<vmem_shared>> -> memref<4096xi32, #tpu.memory_space<vmem_shared>>
      %dma_wait3A_105 = arith.constant 0 : i32
      %dma_wait3A_106 = tpu.memref_slice %arg3[%dma_wait3A_102, %dma_wait3A_105] : memref<200x4096xi32, #tpu.memory_space<hbm>> -> memref<1x4096xi32, #tpu.memory_space<hbm>>
      %dma_wait3A_107 = tpu.memref_squeeze %dma_wait3A_106 : memref<1x4096xi32, #tpu.memory_space<hbm>> -> memref<4096xi32, #tpu.memory_space<hbm>>
      tpu.wait_dma2 semaphore(%arg19 : memref<!tpu.dma_semaphore, #tpu.memory_space<semaphore_mem>>) src(%dma_wait3A_107 : memref<4096xi32, #tpu.memory_space<hbm>>) dst(%dma_wait3A_104 : memref<4096xi32, #tpu.memory_space<vmem_shared>>)
    } else {
    }
    %barrier3A = arith.constant 0 : index
    tpu.barrier barrier_id(%barrier3A)
    %dma_start3A = arith.constant 0 : i32
    %dma_start3A_8 = tpu.memref_slice %arg12[%dma_start3A] : memref<24576xi32, #tpu.memory_space<vmem_shared>> -> memref<4096xi32, #tpu.memory_space<vmem_shared>>
    %dma_start3A_9 = arith.constant 0 : i32
    %dma_start3A_10 = tpu.memref_slice %arg12[%dma_start3A_9] : memref<24576xi32, #tpu.memory_space<vmem_shared>> -> memref<4096xi32, #tpu.memory_space<vmem_shared>>
    tpu.enqueue_dma source(%dma_start3A_10 : memref<4096xi32, #tpu.memory_space<vmem_shared>>) target(%arg6 : memref<4096xi32, #tpu.memory_space<vmem>>) target_semaphore(%arg13 : memref<!tpu.dma_semaphore, #tpu.memory_space<semaphore_mem>>)
    %dma_start3A_11 = arith.constant 4096 : i32
    %dma_start3A_12 = tpu.memref_slice %arg12[%dma_start3A_11] : memref<24576xi32, #tpu.memory_space<vmem_shared>> -> memref<4096xi32, #tpu.memory_space<vmem_shared>>
    %dma_start3A_13 = arith.constant 4096 : i32
    %dma_start3A_14 = tpu.memref_slice %arg12[%dma_start3A_13] : memref<24576xi32, #tpu.memory_space<vmem_shared>> -> memref<4096xi32, #tpu.memory_space<vmem_shared>>
    tpu.enqueue_dma source(%dma_start3A_14 : memref<4096xi32, #tpu.memory_space<vmem_shared>>) target(%arg7 : memref<4096xi32, #tpu.memory_space<vmem>>) target_semaphore(%arg14 : memref<!tpu.dma_semaphore, #tpu.memory_space<semaphore_mem>>)
    %scan3A = arith.constant 0 : i32
    %scan3A_15 = arith.constant 0 : i32
    %scan3A_16 = arith.constant 33 : i32
    %scan3A_17 = arith.addi %scan3A_15, %scan3A_16 : i32
    %scan3A_18 = arith.constant 1 : i32
    scf.for %scan3A_96 = %scan3A_15 to %scan3A_17 step %scan3A_18  : i32 {
      %mul3A_97 = arith.constant 6 : i32
      %mul3A_98 = arith.muli %mul3A_97, %scan3A_96 : i32
      %add3A_99 = arith.constant 0 : i32
      %add3A_100 = arith.addi %mul3A_98, %add3A_99 : i32
      %eq3A_101 = arith.constant 0 : i32
      %eq3A_102 = arith.cmpi eq, %arg1, %eq3A_101 : i32
      %add3A_103 = arith.constant 3 : i32
      %add3A_104 = arith.addi %add3A_100, %add3A_103 : i32
      %sub3A = arith.constant 1 : i32
      %sub3A_105 = arith.subi %add3A_104, %sub3A : i32
      %lt3A = arith.constant 200 : i32
      %lt3A_106 = arith.cmpi slt, %sub3A_105, %lt3A : i32
      %and3A_107 = arith.andi %eq3A_102, %lt3A_106 : i1
      %convert_element_type3A_108 = arith.extui %and3A_107 : i1 to i32
      %cond3A_109 = arith.constant 0 : i32
      %cond3A_110 = arith.cmpi ne, %convert_element_type3A_108, %cond3A_109 : i32
      scf.if %cond3A_110 {
        %add3A_531 = arith.constant 3 : i32
        %add3A_532 = arith.addi %add3A_100, %add3A_531 : i32
        %sub3A_533 = arith.constant 1 : i32
        %sub3A_534 = arith.subi %add3A_532, %sub3A_533 : i32
        %jit3A_535 = arith.constant 6 : i32
        %eq3A_536 = arith.constant 0 : i32
        %eq3A_537 = arith.cmpi eq, %jit3A_535, %eq3A_536 : i32
        %jit3A_538 = arith.constant 1 : i32
        %select_n3A_539 = arith.select %eq3A_537, %jit3A_538, %jit3A_535 : i32
        %rem3A_540 = arith.remsi %sub3A_534, %select_n3A_539 : i32
        %ne3A_541 = arith.constant 0 : i32
        %ne3A_542 = arith.cmpi ne, %rem3A_540, %ne3A_541 : i32
        %lt3A_543 = arith.constant 0 : i32
        %lt3A_544 = arith.cmpi slt, %rem3A_540, %lt3A_543 : i32
        %lt3A_545 = arith.constant 0 : i32
        %lt3A_546 = arith.cmpi slt, %select_n3A_539, %lt3A_545 : i32
        %ne3A_547 = arith.xori %lt3A_544, %lt3A_546 : i1
        %and3A_548 = arith.andi %ne3A_547, %ne3A_542 : i1
        %add3A_549 = arith.addi %rem3A_540, %select_n3A_539 : i32
        %select_n3A_550 = arith.select %and3A_548, %add3A_549, %rem3A_540 : i32
        %mul3A_551 = arith.constant 4096 : i32
        %mul3A_552 = arith.muli %select_n3A_550, %mul3A_551 : i32
        %dma_wait3A_553 = tpu.memref_slice %arg12[%mul3A_552] : memref<24576xi32, #tpu.memory_space<vmem_shared>> -> memref<4096xi32, #tpu.memory_space<vmem_shared>>
        %dma_wait3A_554 = arith.constant 0 : i32
        %dma_wait3A_555 = tpu.memref_slice %arg3[%sub3A_534, %dma_wait3A_554] : memref<200x4096xi32, #tpu.memory_space<hbm>> -> memref<1x4096xi32, #tpu.memory_space<hbm>>
        %dma_wait3A_556 = tpu.memref_squeeze %dma_wait3A_555 : memref<1x4096xi32, #tpu.memory_space<hbm>> -> memref<4096xi32, #tpu.memory_space<hbm>>
        tpu.wait_dma2 semaphore(%arg19 : memref<!tpu.dma_semaphore, #tpu.memory_space<semaphore_mem>>) src(%dma_wait3A_556 : memref<4096xi32, #tpu.memory_space<hbm>>) dst(%dma_wait3A_553 : memref<4096xi32, #tpu.memory_space<vmem_shared>>)
      } else {
      }
      %barrier3A_111 = arith.constant 0 : index
      tpu.barrier barrier_id(%barrier3A_111)
      %eq3A_112 = arith.constant 0 : i32
      %eq3A_113 = arith.cmpi eq, %arg1, %eq3A_112 : i32
      %add3A_114 = arith.constant 6 : i32
      %add3A_115 = arith.addi %add3A_100, %add3A_114 : i32
      %sub3A_116 = arith.constant 1 : i32
      %sub3A_117 = arith.subi %add3A_115, %sub3A_116 : i32
      %lt3A_118 = arith.constant 200 : i32
      %lt3A_119 = arith.cmpi slt, %sub3A_117, %lt3A_118 : i32
      %and3A_120 = arith.andi %eq3A_113, %lt3A_119 : i1
      %convert_element_type3A_121 = arith.extui %and3A_120 : i1 to i32
      %cond3A_122 = arith.constant 0 : i32
      %cond3A_123 = arith.cmpi ne, %convert_element_type3A_121, %cond3A_122 : i32
      scf.if %cond3A_123 {
        %add3A_531 = arith.constant 6 : i32
        %add3A_532 = arith.addi %add3A_100, %add3A_531 : i32
        %sub3A_533 = arith.constant 1 : i32
        %sub3A_534 = arith.subi %add3A_532, %sub3A_533 : i32
        %jit3A_535 = arith.constant 6 : i32
        %eq3A_536 = arith.constant 0 : i32
        %eq3A_537 = arith.cmpi eq, %jit3A_535, %eq3A_536 : i32
        %jit3A_538 = arith.constant 1 : i32
        %select_n3A_539 = arith.select %eq3A_537, %jit3A_538, %jit3A_535 : i32
        %rem3A_540 = arith.remsi %sub3A_534, %select_n3A_539 : i32
        %ne3A_541 = arith.constant 0 : i32
        %ne3A_542 = arith.cmpi ne, %rem3A_540, %ne3A_541 : i32
        %lt3A_543 = arith.constant 0 : i32
        %lt3A_544 = arith.cmpi slt, %rem3A_540, %lt3A_543 : i32
        %lt3A_545 = arith.constant 0 : i32
        %lt3A_546 = arith.cmpi slt, %select_n3A_539, %lt3A_545 : i32
        %ne3A_547 = arith.xori %lt3A_544, %lt3A_546 : i1
        %and3A_548 = arith.andi %ne3A_547, %ne3A_542 : i1
        %add3A_549 = arith.addi %rem3A_540, %select_n3A_539 : i32
        %select_n3A_550 = arith.select %and3A_548, %add3A_549, %rem3A_540 : i32
        %mul3A_551 = arith.constant 4096 : i32
        %mul3A_552 = arith.muli %select_n3A_550, %mul3A_551 : i32
        %dma_start3A_553 = tpu.memref_slice %arg12[%mul3A_552] : memref<24576xi32, #tpu.memory_space<vmem_shared>> -> memref<4096xi32, #tpu.memory_space<vmem_shared>>
        %dma_start3A_554 = arith.constant 0 : i32
        %dma_start3A_555 = tpu.memref_slice %arg3[%sub3A_534, %dma_start3A_554] : memref<200x4096xi32, #tpu.memory_space<hbm>> -> memref<1x4096xi32, #tpu.memory_space<hbm>>
        %dma_start3A_556 = tpu.memref_squeeze %dma_start3A_555 : memref<1x4096xi32, #tpu.memory_space<hbm>> -> memref<4096xi32, #tpu.memory_space<hbm>>
        tpu.enqueue_dma source(%dma_start3A_556 : memref<4096xi32, #tpu.memory_space<hbm>>) target(%dma_start3A_553 : memref<4096xi32, #tpu.memory_space<vmem_shared>>) target_semaphore(%arg19 : memref<!tpu.dma_semaphore, #tpu.memory_space<semaphore_mem>>)
      } else {
      }
      %add3A_124 = arith.constant 3 : i32
      %add3A_125 = arith.addi %add3A_100, %add3A_124 : i32
      %sub3A_126 = arith.constant 1 : i32
      %sub3A_127 = arith.subi %add3A_125, %sub3A_126 : i32
      %lt3A_128 = arith.constant 200 : i32
      %lt3A_129 = arith.cmpi slt, %sub3A_127, %lt3A_128 : i32
      %convert_element_type3A_130 = arith.extui %lt3A_129 : i1 to i32
      %cond3A_131 = arith.constant 0 : i32
      %cond3A_132 = arith.cmpi ne, %convert_element_type3A_130, %cond3A_131 : i32
      scf.if %cond3A_132 {
        %add3A_531 = arith.constant 3 : i32
        %add3A_532 = arith.addi %add3A_100, %add3A_531 : i32
        %sub3A_533 = arith.constant 1 : i32
        %sub3A_534 = arith.subi %add3A_532, %sub3A_533 : i32
        %jit3A_535 = arith.constant 6 : i32
        %eq3A_536 = arith.constant 0 : i32
        %eq3A_537 = arith.cmpi eq, %jit3A_535, %eq3A_536 : i32
        %jit3A_538 = arith.constant 1 : i32
        %select_n3A_539 = arith.select %eq3A_537, %jit3A_538, %jit3A_535 : i32
        %rem3A_540 = arith.remsi %sub3A_534, %select_n3A_539 : i32
        %ne3A_541 = arith.constant 0 : i32
        %ne3A_542 = arith.cmpi ne, %rem3A_540, %ne3A_541 : i32
        %lt3A_543 = arith.constant 0 : i32
        %lt3A_544 = arith.cmpi slt, %rem3A_540, %lt3A_543 : i32
        %lt3A_545 = arith.constant 0 : i32
        %lt3A_546 = arith.cmpi slt, %select_n3A_539, %lt3A_545 : i32
        %ne3A_547 = arith.xori %lt3A_544, %lt3A_546 : i1
        %and3A_548 = arith.andi %ne3A_547, %ne3A_542 : i1
        %add3A_549 = arith.addi %rem3A_540, %select_n3A_539 : i32
        %select_n3A_550 = arith.select %and3A_548, %add3A_549, %rem3A_540 : i32
        %mul3A_551 = arith.constant 4096 : i32
        %mul3A_552 = arith.muli %select_n3A_550, %mul3A_551 : i32
        %dma_start3A_553 = tpu.memref_slice %arg12[%mul3A_552] : memref<24576xi32, #tpu.memory_space<vmem_shared>> -> memref<4096xi32, #tpu.memory_space<vmem_shared>>
        %dma_start3A_554 = tpu.memref_slice %arg12[%mul3A_552] : memref<24576xi32, #tpu.memory_space<vmem_shared>> -> memref<4096xi32, #tpu.memory_space<vmem_shared>>
        tpu.enqueue_dma source(%dma_start3A_554 : memref<4096xi32, #tpu.memory_space<vmem_shared>>) target(%arg8 : memref<4096xi32, #tpu.memory_space<vmem>>) target_semaphore(%arg15 : memref<!tpu.dma_semaphore, #tpu.memory_space<semaphore_mem>>)
      } else {
      }
      %jit3A = arith.constant 6 : i32
      %eq3A_133 = arith.constant 0 : i32
      %eq3A_134 = arith.cmpi eq, %jit3A, %eq3A_133 : i32
      %jit3A_135 = arith.constant 1 : i32
      %select_n3A = arith.select %eq3A_134, %jit3A_135, %jit3A : i32
      %rem3A = arith.remsi %add3A_100, %select_n3A : i32
      %ne3A = arith.constant 0 : i32
      %ne3A_136 = arith.cmpi ne, %rem3A, %ne3A : i32
      %lt3A_137 = arith.constant 0 : i32
      %lt3A_138 = arith.cmpi slt, %rem3A, %lt3A_137 : i32
      %lt3A_139 = arith.constant 0 : i32
      %lt3A_140 = arith.cmpi slt, %select_n3A, %lt3A_139 : i32
      %ne3A_141 = arith.xori %lt3A_138, %lt3A_140 : i1
      %and3A_142 = arith.andi %ne3A_141, %ne3A_136 : i1
      %add3A_143 = arith.addi %rem3A, %select_n3A : i32
      %select_n3A_144 = arith.select %and3A_142, %add3A_143, %rem3A : i32
      %mul3A_145 = arith.constant 4096 : i32
      %mul3A_146 = arith.muli %select_n3A_144, %mul3A_145 : i32
      %dma_wait3A_147 = tpu.memref_slice %arg12[%mul3A_146] : memref<24576xi32, #tpu.memory_space<vmem_shared>> -> memref<4096xi32, #tpu.memory_space<vmem_shared>>
      %dma_wait3A_148 = tpu.memref_slice %arg12[%mul3A_146] : memref<24576xi32, #tpu.memory_space<vmem_shared>> -> memref<4096xi32, #tpu.memory_space<vmem_shared>>
      tpu.wait_dma2 semaphore(%arg13 : memref<!tpu.dma_semaphore, #tpu.memory_space<semaphore_mem>>) src(%dma_wait3A_148 : memref<4096xi32, #tpu.memory_space<vmem_shared>>) dst(%arg6 : memref<4096xi32, #tpu.memory_space<vmem>>)
      %gt3A = arith.constant 0 : i32
      %gt3A_149 = arith.cmpi sgt, %scan3A_96, %gt3A : i32
      %convert_element_type3A_150 = arith.extui %gt3A_149 : i1 to i32
      %cond3A_151 = arith.constant 0 : i32
      %cond3A_152 = arith.cmpi ne, %convert_element_type3A_150, %cond3A_151 : i32
      scf.if %cond3A_152 {
        %sub3A_531 = arith.constant 3 : i32
        %sub3A_532 = arith.subi %add3A_100, %sub3A_531 : i32
        %dma_wait3A_533 = arith.constant 0 : i32
        %dma_wait3A_534 = tpu.memref_slice %arg4[%sub3A_532, %add3A, %dma_wait3A_533] : memref<200x32x4096xf32, #tpu.memory_space<hbm>> -> memref<1x1x4096xf32, #tpu.memory_space<hbm>>
        %dma_wait3A_535 = tpu.memref_squeeze %dma_wait3A_534 : memref<1x1x4096xf32, #tpu.memory_space<hbm>> -> memref<4096xf32, #tpu.memory_space<hbm>>
        %dma_wait3A_536 = arith.constant 0 : i32
        %dma_wait3A_537 = tpu.memref_slice %arg4[%sub3A_532, %add3A, %dma_wait3A_536] : memref<200x32x4096xf32, #tpu.memory_space<hbm>> -> memref<1x1x4096xf32, #tpu.memory_space<hbm>>
        %dma_wait3A_538 = tpu.memref_squeeze %dma_wait3A_537 : memref<1x1x4096xf32, #tpu.memory_space<hbm>> -> memref<4096xf32, #tpu.memory_space<hbm>>
        tpu.wait_dma2 semaphore(%arg16 : memref<!tpu.dma_semaphore, #tpu.memory_space<semaphore_mem>>) src(%arg9 : memref<4096xf32, #tpu.memory_space<vmem>>) dst(%dma_wait3A_538 : memref<4096xf32, #tpu.memory_space<hbm>>)
      } else {
      }
      %parallel_loop3A_153 = arith.constant 0 : i32
      %parallel_loop3A_154 = arith.constant 256 : i32
      %parallel_loop3A_155 = arith.constant 1 : i32
      scf.for %parallel_loop3A_531 = %parallel_loop3A_153 to %parallel_loop3A_154 step %parallel_loop3A_155  : i32 {
        %parallel_loop3A_532 = arith.constant 16 : i32
        %parallel_loop3A_533 = arith.muli %parallel_loop3A_531, %parallel_loop3A_532 : i32
        %parallel_loop3A_534 = arith.index_cast %parallel_loop3A_533 : i32 to index
        %parallel_loop3A_535 = tpu.vector_load %arg6[%parallel_loop3A_534] {strides = array<i32>} : memref<4096xi32, #tpu.memory_space<vmem>>, vector<16xi32>,
        %parallel_loop3A_536 = tpu.vector_load_idx %arg5[%parallel_loop3A_535] : memref<100000xf32, #tpu.memory_space<vmem>>[vector<16xi32>], vector<16xf32>,
        %parallel_loop3A_537 = arith.constant 16 : i32
        %parallel_loop3A_538 = arith.muli %parallel_loop3A_531, %parallel_loop3A_537 : i32
        %parallel_loop3A_539 = arith.index_cast %parallel_loop3A_538 : i32 to index
        %parallel_loop3A_540 = tpu.vector_load %arg9[%parallel_loop3A_539] {strides = array<i32>} : memref<4096xf32, #tpu.memory_space<vmem>>, vector<16xf32>,
        tpu.vector_store %arg9[%parallel_loop3A_539], %parallel_loop3A_536 {strides = array<i32>} : memref<4096xf32, #tpu.memory_space<vmem>>, vector<16xf32>,
      } {sc.loop_unroll_factor = 16 : i64, sc.parallel_access}
      %dma_start3A_156 = arith.constant 0 : i32
      %dma_start3A_157 = tpu.memref_slice %arg4[%add3A_100, %add3A, %dma_start3A_156] : memref<200x32x4096xf32, #tpu.memory_space<hbm>> -> memref<1x1x4096xf32, #tpu.memory_space<hbm>>
      %dma_start3A_158 = tpu.memref_squeeze %dma_start3A_157 : memref<1x1x4096xf32, #tpu.memory_space<hbm>> -> memref<4096xf32, #tpu.memory_space<hbm>>
      %dma_start3A_159 = arith.constant 0 : i32
      %dma_start3A_160 = tpu.memref_slice %arg4[%add3A_100, %add3A, %dma_start3A_159] : memref<200x32x4096xf32, #tpu.memory_space<hbm>> -> memref<1x1x4096xf32, #tpu.memory_space<hbm>>
      %dma_start3A_161 = tpu.memref_squeeze %dma_start3A_160 : memref<1x1x4096xf32, #tpu.memory_space<hbm>> -> memref<4096xf32, #tpu.memory_space<hbm>>
      tpu.enqueue_dma source(%arg9 : memref<4096xf32, #tpu.memory_space<vmem>>) target(%dma_start3A_161 : memref<4096xf32, #tpu.memory_space<hbm>>) target_semaphore(%arg16 : memref<!tpu.dma_semaphore, #tpu.memory_space<semaphore_mem>>)
      %mul3A_162 = arith.constant 6 : i32
      %mul3A_163 = arith.muli %mul3A_162, %scan3A_96 : i32
      %add3A_164 = arith.constant 1 : i32
      %add3A_165 = arith.addi %mul3A_163, %add3A_164 : i32
      %eq3A_166 = arith.constant 0 : i32
      %eq3A_167 = arith.cmpi eq, %arg1, %eq3A_166 : i32
      %add3A_168 = arith.constant 3 : i32
      %add3A_169 = arith.addi %add3A_165, %add3A_168 : i32
      %sub3A_170 = arith.constant 1 : i32
      %sub3A_171 = arith.subi %add3A_169, %sub3A_170 : i32
      %lt3A_172 = arith.constant 200 : i32
      %lt3A_173 = arith.cmpi slt, %sub3A_171, %lt3A_172 : i32
      %and3A_174 = arith.andi %eq3A_167, %lt3A_173 : i1
      %convert_element_type3A_175 = arith.extui %and3A_174 : i1 to i32
      %cond3A_176 = arith.constant 0 : i32
      %cond3A_177 = arith.cmpi ne, %convert_element_type3A_175, %cond3A_176 : i32
      scf.if %cond3A_177 {
        %add3A_531 = arith.constant 3 : i32
        %add3A_532 = arith.addi %add3A_165, %add3A_531 : i32
        %sub3A_533 = arith.constant 1 : i32
        %sub3A_534 = arith.subi %add3A_532, %sub3A_533 : i32
        %jit3A_535 = arith.constant 6 : i32
        %eq3A_536 = arith.constant 0 : i32
        %eq3A_537 = arith.cmpi eq, %jit3A_535, %eq3A_536 : i32
        %jit3A_538 = arith.constant 1 : i32
        %select_n3A_539 = arith.select %eq3A_537, %jit3A_538, %jit3A_535 : i32
        %rem3A_540 = arith.remsi %sub3A_534, %select_n3A_539 : i32
        %ne3A_541 = arith.constant 0 : i32
        %ne3A_542 = arith.cmpi ne, %rem3A_540, %ne3A_541 : i32
        %lt3A_543 = arith.constant 0 : i32
        %lt3A_544 = arith.cmpi slt, %rem3A_540, %lt3A_543 : i32
        %lt3A_545 = arith.constant 0 : i32
        %lt3A_546 = arith.cmpi slt, %select_n3A_539, %lt3A_545 : i32
        %ne3A_547 = arith.xori %lt3A_544, %lt3A_546 : i1
        %and3A_548 = arith.andi %ne3A_547, %ne3A_542 : i1
        %add3A_549 = arith.addi %rem3A_540, %select_n3A_539 : i32
        %select_n3A_550 = arith.select %and3A_548, %add3A_549, %rem3A_540 : i32
        %mul3A_551 = arith.constant 4096 : i32
        %mul3A_552 = arith.muli %select_n3A_550, %mul3A_551 : i32
        %dma_wait3A_553 = tpu.memref_slice %arg12[%mul3A_552] : memref<24576xi32, #tpu.memory_space<vmem_shared>> -> memref<4096xi32, #tpu.memory_space<vmem_shared>>
        %dma_wait3A_554 = arith.constant 0 : i32
        %dma_wait3A_555 = tpu.memref_slice %arg3[%sub3A_534, %dma_wait3A_554] : memref<200x4096xi32, #tpu.memory_space<hbm>> -> memref<1x4096xi32, #tpu.memory_space<hbm>>
        %dma_wait3A_556 = tpu.memref_squeeze %dma_wait3A_555 : memref<1x4096xi32, #tpu.memory_space<hbm>> -> memref<4096xi32, #tpu.memory_space<hbm>>
        tpu.wait_dma2 semaphore(%arg19 : memref<!tpu.dma_semaphore, #tpu.memory_space<semaphore_mem>>) src(%dma_wait3A_556 : memref<4096xi32, #tpu.memory_space<hbm>>) dst(%dma_wait3A_553 : memref<4096xi32, #tpu.memory_space<vmem_shared>>)
      } else {
      }
      %barrier3A_178 = arith.constant 0 : index
      tpu.barrier barrier_id(%barrier3A_178)
      %eq3A_179 = arith.constant 0 : i32
      %eq3A_180 = arith.cmpi eq, %arg1, %eq3A_179 : i32
      %add3A_181 = arith.constant 6 : i32
      %add3A_182 = arith.addi %add3A_165, %add3A_181 : i32
      %sub3A_183 = arith.constant 1 : i32
      %sub3A_184 = arith.subi %add3A_182, %sub3A_183 : i32
      %lt3A_185 = arith.constant 200 : i32
      %lt3A_186 = arith.cmpi slt, %sub3A_184, %lt3A_185 : i32
      %and3A_187 = arith.andi %eq3A_180, %lt3A_186 : i1
      %convert_element_type3A_188 = arith.extui %and3A_187 : i1 to i32
      %cond3A_189 = arith.constant 0 : i32
      %cond3A_190 = arith.cmpi ne, %convert_element_type3A_188, %cond3A_189 : i32
      scf.if %cond3A_190 {
        %add3A_531 = arith.constant 6 : i32
        %add3A_532 = arith.addi %add3A_165, %add3A_531 : i32
        %sub3A_533 = arith.constant 1 : i32
        %sub3A_534 = arith.subi %add3A_532, %sub3A_533 : i32
        %jit3A_535 = arith.constant 6 : i32
        %eq3A_536 = arith.constant 0 : i32
        %eq3A_537 = arith.cmpi eq, %jit3A_535, %eq3A_536 : i32
        %jit3A_538 = arith.constant 1 : i32
        %select_n3A_539 = arith.select %eq3A_537, %jit3A_538, %jit3A_535 : i32
        %rem3A_540 = arith.remsi %sub3A_534, %select_n3A_539 : i32
        %ne3A_541 = arith.constant 0 : i32
        %ne3A_542 = arith.cmpi ne, %rem3A_540, %ne3A_541 : i32
        %lt3A_543 = arith.constant 0 : i32
        %lt3A_544 = arith.cmpi slt, %rem3A_540, %lt3A_543 : i32
        %lt3A_545 = arith.constant 0 : i32
        %lt3A_546 = arith.cmpi slt, %select_n3A_539, %lt3A_545 : i32
        %ne3A_547 = arith.xori %lt3A_544, %lt3A_546 : i1
        %and3A_548 = arith.andi %ne3A_547, %ne3A_542 : i1
        %add3A_549 = arith.addi %rem3A_540, %select_n3A_539 : i32
        %select_n3A_550 = arith.select %and3A_548, %add3A_549, %rem3A_540 : i32
        %mul3A_551 = arith.constant 4096 : i32
        %mul3A_552 = arith.muli %select_n3A_550, %mul3A_551 : i32
        %dma_start3A_553 = tpu.memref_slice %arg12[%mul3A_552] : memref<24576xi32, #tpu.memory_space<vmem_shared>> -> memref<4096xi32, #tpu.memory_space<vmem_shared>>
        %dma_start3A_554 = arith.constant 0 : i32
        %dma_start3A_555 = tpu.memref_slice %arg3[%sub3A_534, %dma_start3A_554] : memref<200x4096xi32, #tpu.memory_space<hbm>> -> memref<1x4096xi32, #tpu.memory_space<hbm>>
        %dma_start3A_556 = tpu.memref_squeeze %dma_start3A_555 : memref<1x4096xi32, #tpu.memory_space<hbm>> -> memref<4096xi32, #tpu.memory_space<hbm>>
        tpu.enqueue_dma source(%dma_start3A_556 : memref<4096xi32, #tpu.memory_space<hbm>>) target(%dma_start3A_553 : memref<4096xi32, #tpu.memory_space<vmem_shared>>) target_semaphore(%arg19 : memref<!tpu.dma_semaphore, #tpu.memory_space<semaphore_mem>>)
      } else {
      }
      %add3A_191 = arith.constant 3 : i32
      %add3A_192 = arith.addi %add3A_165, %add3A_191 : i32
      %sub3A_193 = arith.constant 1 : i32
      %sub3A_194 = arith.subi %add3A_192, %sub3A_193 : i32
      %lt3A_195 = arith.constant 200 : i32
      %lt3A_196 = arith.cmpi slt, %sub3A_194, %lt3A_195 : i32
      %convert_element_type3A_197 = arith.extui %lt3A_196 : i1 to i32
      %cond3A_198 = arith.constant 0 : i32
      %cond3A_199 = arith.cmpi ne, %convert_element_type3A_197, %cond3A_198 : i32
      scf.if %cond3A_199 {
        %add3A_531 = arith.constant 3 : i32
        %add3A_532 = arith.addi %add3A_165, %add3A_531 : i32
        %sub3A_533 = arith.constant 1 : i32
        %sub3A_534 = arith.subi %add3A_532, %sub3A_533 : i32
        %jit3A_535 = arith.constant 6 : i32
        %eq3A_536 = arith.constant 0 : i32
        %eq3A_537 = arith.cmpi eq, %jit3A_535, %eq3A_536 : i32
        %jit3A_538 = arith.constant 1 : i32
        %select_n3A_539 = arith.select %eq3A_537, %jit3A_538, %jit3A_535 : i32
        %rem3A_540 = arith.remsi %sub3A_534, %select_n3A_539 : i32
        %ne3A_541 = arith.constant 0 : i32
        %ne3A_542 = arith.cmpi ne, %rem3A_540, %ne3A_541 : i32
        %lt3A_543 = arith.constant 0 : i32
        %lt3A_544 = arith.cmpi slt, %rem3A_540, %lt3A_543 : i32
        %lt3A_545 = arith.constant 0 : i32
        %lt3A_546 = arith.cmpi slt, %select_n3A_539, %lt3A_545 : i32
        %ne3A_547 = arith.xori %lt3A_544, %lt3A_546 : i1
        %and3A_548 = arith.andi %ne3A_547, %ne3A_542 : i1
        %add3A_549 = arith.addi %rem3A_540, %select_n3A_539 : i32
        %select_n3A_550 = arith.select %and3A_548, %add3A_549, %rem3A_540 : i32
        %mul3A_551 = arith.constant 4096 : i32
        %mul3A_552 = arith.muli %select_n3A_550, %mul3A_551 : i32
        %dma_start3A_553 = tpu.memref_slice %arg12[%mul3A_552] : memref<24576xi32, #tpu.memory_space<vmem_shared>> -> memref<4096xi32, #tpu.memory_space<vmem_shared>>
        %dma_start3A_554 = tpu.memref_slice %arg12[%mul3A_552] : memref<24576xi32, #tpu.memory_space<vmem_shared>> -> memref<4096xi32, #tpu.memory_space<vmem_shared>>
        tpu.enqueue_dma source(%dma_start3A_554 : memref<4096xi32, #tpu.memory_space<vmem_shared>>) target(%arg6 : memref<4096xi32, #tpu.memory_space<vmem>>) target_semaphore(%arg13 : memref<!tpu.dma_semaphore, #tpu.memory_space<semaphore_mem>>)
      } else {
      }
      %jit3A_200 = arith.constant 6 : i32
      %eq3A_201 = arith.constant 0 : i32
      %eq3A_202 = arith.cmpi eq, %jit3A_200, %eq3A_201 : i32
      %jit3A_203 = arith.constant 1 : i32
      %select_n3A_204 = arith.select %eq3A_202, %jit3A_203, %jit3A_200 : i32
      %rem3A_205 = arith.remsi %add3A_165, %select_n3A_204 : i32
      %ne3A_206 = arith.constant 0 : i32
      %ne3A_207 = arith.cmpi ne, %rem3A_205, %ne3A_206 : i32
      %lt3A_208 = arith.constant 0 : i32
      %lt3A_209 = arith.cmpi slt, %rem3A_205, %lt3A_208 : i32
      %lt3A_210 = arith.constant 0 : i32
      %lt3A_211 = arith.cmpi slt, %select_n3A_204, %lt3A_210 : i32
      %ne3A_212 = arith.xori %lt3A_209, %lt3A_211 : i1
      %and3A_213 = arith.andi %ne3A_212, %ne3A_207 : i1
      %add3A_214 = arith.addi %rem3A_205, %select_n3A_204 : i32
      %select_n3A_215 = arith.select %and3A_213, %add3A_214, %rem3A_205 : i32
      %mul3A_216 = arith.constant 4096 : i32
      %mul3A_217 = arith.muli %select_n3A_215, %mul3A_216 : i32
      %dma_wait3A_218 = tpu.memref_slice %arg12[%mul3A_217] : memref<24576xi32, #tpu.memory_space<vmem_shared>> -> memref<4096xi32, #tpu.memory_space<vmem_shared>>
      %dma_wait3A_219 = tpu.memref_slice %arg12[%mul3A_217] : memref<24576xi32, #tpu.memory_space<vmem_shared>> -> memref<4096xi32, #tpu.memory_space<vmem_shared>>
      tpu.wait_dma2 semaphore(%arg14 : memref<!tpu.dma_semaphore, #tpu.memory_space<semaphore_mem>>) src(%dma_wait3A_219 : memref<4096xi32, #tpu.memory_space<vmem_shared>>) dst(%arg7 : memref<4096xi32, #tpu.memory_space<vmem>>)
      %gt3A_220 = arith.constant 0 : i32
      %gt3A_221 = arith.cmpi sgt, %scan3A_96, %gt3A_220 : i32
      %convert_element_type3A_222 = arith.extui %gt3A_221 : i1 to i32
      %cond3A_223 = arith.constant 0 : i32
      %cond3A_224 = arith.cmpi ne, %convert_element_type3A_222, %cond3A_223 : i32
      scf.if %cond3A_224 {
        %sub3A_531 = arith.constant 3 : i32
        %sub3A_532 = arith.subi %add3A_165, %sub3A_531 : i32
        %dma_wait3A_533 = arith.constant 0 : i32
        %dma_wait3A_534 = tpu.memref_slice %arg4[%sub3A_532, %add3A, %dma_wait3A_533] : memref<200x32x4096xf32, #tpu.memory_space<hbm>> -> memref<1x1x4096xf32, #tpu.memory_space<hbm>>
        %dma_wait3A_535 = tpu.memref_squeeze %dma_wait3A_534 : memref<1x1x4096xf32, #tpu.memory_space<hbm>> -> memref<4096xf32, #tpu.memory_space<hbm>>
        %dma_wait3A_536 = arith.constant 0 : i32
        %dma_wait3A_537 = tpu.memref_slice %arg4[%sub3A_532, %add3A, %dma_wait3A_536] : memref<200x32x4096xf32, #tpu.memory_space<hbm>> -> memref<1x1x4096xf32, #tpu.memory_space<hbm>>
        %dma_wait3A_538 = tpu.memref_squeeze %dma_wait3A_537 : memref<1x1x4096xf32, #tpu.memory_space<hbm>> -> memref<4096xf32, #tpu.memory_space<hbm>>
        tpu.wait_dma2 semaphore(%arg17 : memref<!tpu.dma_semaphore, #tpu.memory_space<semaphore_mem>>) src(%arg10 : memref<4096xf32, #tpu.memory_space<vmem>>) dst(%dma_wait3A_538 : memref<4096xf32, #tpu.memory_space<hbm>>)
      } else {
      }
      %parallel_loop3A_225 = arith.constant 0 : i32
      %parallel_loop3A_226 = arith.constant 256 : i32
      %parallel_loop3A_227 = arith.constant 1 : i32
      scf.for %parallel_loop3A_531 = %parallel_loop3A_225 to %parallel_loop3A_226 step %parallel_loop3A_227  : i32 {
        %parallel_loop3A_532 = arith.constant 16 : i32
        %parallel_loop3A_533 = arith.muli %parallel_loop3A_531, %parallel_loop3A_532 : i32
        %parallel_loop3A_534 = arith.index_cast %parallel_loop3A_533 : i32 to index
        %parallel_loop3A_535 = tpu.vector_load %arg7[%parallel_loop3A_534] {strides = array<i32>} : memref<4096xi32, #tpu.memory_space<vmem>>, vector<16xi32>,
        %parallel_loop3A_536 = tpu.vector_load_idx %arg5[%parallel_loop3A_535] : memref<100000xf32, #tpu.memory_space<vmem>>[vector<16xi32>], vector<16xf32>,
        %parallel_loop3A_537 = arith.constant 16 : i32
        %parallel_loop3A_538 = arith.muli %parallel_loop3A_531, %parallel_loop3A_537 : i32
        %parallel_loop3A_539 = arith.index_cast %parallel_loop3A_538 : i32 to index
        %parallel_loop3A_540 = tpu.vector_load %arg10[%parallel_loop3A_539] {strides = array<i32>} : memref<4096xf32, #tpu.memory_space<vmem>>, vector<16xf32>,
        tpu.vector_store %arg10[%parallel_loop3A_539], %parallel_loop3A_536 {strides = array<i32>} : memref<4096xf32, #tpu.memory_space<vmem>>, vector<16xf32>,
      } {sc.loop_unroll_factor = 16 : i64, sc.parallel_access}
      %dma_start3A_228 = arith.constant 0 : i32
      %dma_start3A_229 = tpu.memref_slice %arg4[%add3A_165, %add3A, %dma_start3A_228] : memref<200x32x4096xf32, #tpu.memory_space<hbm>> -> memref<1x1x4096xf32, #tpu.memory_space<hbm>>
      %dma_start3A_230 = tpu.memref_squeeze %dma_start3A_229 : memref<1x1x4096xf32, #tpu.memory_space<hbm>> -> memref<4096xf32, #tpu.memory_space<hbm>>
      %dma_start3A_231 = arith.constant 0 : i32
      %dma_start3A_232 = tpu.memref_slice %arg4[%add3A_165, %add3A, %dma_start3A_231] : memref<200x32x4096xf32, #tpu.memory_space<hbm>> -> memref<1x1x4096xf32, #tpu.memory_space<hbm>>
      %dma_start3A_233 = tpu.memref_squeeze %dma_start3A_232 : memref<1x1x4096xf32, #tpu.memory_space<hbm>> -> memref<4096xf32, #tpu.memory_space<hbm>>
      tpu.enqueue_dma source(%arg10 : memref<4096xf32, #tpu.memory_space<vmem>>) target(%dma_start3A_233 : memref<4096xf32, #tpu.memory_space<hbm>>) target_semaphore(%arg17 : memref<!tpu.dma_semaphore, #tpu.memory_space<semaphore_mem>>)
      %mul3A_234 = arith.constant 6 : i32
      %mul3A_235 = arith.muli %mul3A_234, %scan3A_96 : i32
      %add3A_236 = arith.constant 2 : i32
      %add3A_237 = arith.addi %mul3A_235, %add3A_236 : i32
      %eq3A_238 = arith.constant 0 : i32
      %eq3A_239 = arith.cmpi eq, %arg1, %eq3A_238 : i32
      %add3A_240 = arith.constant 3 : i32
      %add3A_241 = arith.addi %add3A_237, %add3A_240 : i32
      %sub3A_242 = arith.constant 1 : i32
      %sub3A_243 = arith.subi %add3A_241, %sub3A_242 : i32
      %lt3A_244 = arith.constant 200 : i32
      %lt3A_245 = arith.cmpi slt, %sub3A_243, %lt3A_244 : i32
      %and3A_246 = arith.andi %eq3A_239, %lt3A_245 : i1
      %convert_element_type3A_247 = arith.extui %and3A_246 : i1 to i32
      %cond3A_248 = arith.constant 0 : i32
      %cond3A_249 = arith.cmpi ne, %convert_element_type3A_247, %cond3A_248 : i32
      scf.if %cond3A_249 {
        %add3A_531 = arith.constant 3 : i32
        %add3A_532 = arith.addi %add3A_237, %add3A_531 : i32
        %sub3A_533 = arith.constant 1 : i32
        %sub3A_534 = arith.subi %add3A_532, %sub3A_533 : i32
        %jit3A_535 = arith.constant 6 : i32
        %eq3A_536 = arith.constant 0 : i32
        %eq3A_537 = arith.cmpi eq, %jit3A_535, %eq3A_536 : i32
        %jit3A_538 = arith.constant 1 : i32
        %select_n3A_539 = arith.select %eq3A_537, %jit3A_538, %jit3A_535 : i32
        %rem3A_540 = arith.remsi %sub3A_534, %select_n3A_539 : i32
        %ne3A_541 = arith.constant 0 : i32
        %ne3A_542 = arith.cmpi ne, %rem3A_540, %ne3A_541 : i32
        %lt3A_543 = arith.constant 0 : i32
        %lt3A_544 = arith.cmpi slt, %rem3A_540, %lt3A_543 : i32
        %lt3A_545 = arith.constant 0 : i32
        %lt3A_546 = arith.cmpi slt, %select_n3A_539, %lt3A_545 : i32
        %ne3A_547 = arith.xori %lt3A_544, %lt3A_546 : i1
        %and3A_548 = arith.andi %ne3A_547, %ne3A_542 : i1
        %add3A_549 = arith.addi %rem3A_540, %select_n3A_539 : i32
        %select_n3A_550 = arith.select %and3A_548, %add3A_549, %rem3A_540 : i32
        %mul3A_551 = arith.constant 4096 : i32
        %mul3A_552 = arith.muli %select_n3A_550, %mul3A_551 : i32
        %dma_wait3A_553 = tpu.memref_slice %arg12[%mul3A_552] : memref<24576xi32, #tpu.memory_space<vmem_shared>> -> memref<4096xi32, #tpu.memory_space<vmem_shared>>
        %dma_wait3A_554 = arith.constant 0 : i32
        %dma_wait3A_555 = tpu.memref_slice %arg3[%sub3A_534, %dma_wait3A_554] : memref<200x4096xi32, #tpu.memory_space<hbm>> -> memref<1x4096xi32, #tpu.memory_space<hbm>>
        %dma_wait3A_556 = tpu.memref_squeeze %dma_wait3A_555 : memref<1x4096xi32, #tpu.memory_space<hbm>> -> memref<4096xi32, #tpu.memory_space<hbm>>
        tpu.wait_dma2 semaphore(%arg19 : memref<!tpu.dma_semaphore, #tpu.memory_space<semaphore_mem>>) src(%dma_wait3A_556 : memref<4096xi32, #tpu.memory_space<hbm>>) dst(%dma_wait3A_553 : memref<4096xi32, #tpu.memory_space<vmem_shared>>)
      } else {
      }
      %barrier3A_250 = arith.constant 0 : index
      tpu.barrier barrier_id(%barrier3A_250)
      %eq3A_251 = arith.constant 0 : i32
      %eq3A_252 = arith.cmpi eq, %arg1, %eq3A_251 : i32
      %add3A_253 = arith.constant 6 : i32
      %add3A_254 = arith.addi %add3A_237, %add3A_253 : i32
      %sub3A_255 = arith.constant 1 : i32
      %sub3A_256 = arith.subi %add3A_254, %sub3A_255 : i32
      %lt3A_257 = arith.constant 200 : i32
      %lt3A_258 = arith.cmpi slt, %sub3A_256, %lt3A_257 : i32
      %and3A_259 = arith.andi %eq3A_252, %lt3A_258 : i1
      %convert_element_type3A_260 = arith.extui %and3A_259 : i1 to i32
      %cond3A_261 = arith.constant 0 : i32
      %cond3A_262 = arith.cmpi ne, %convert_element_type3A_260, %cond3A_261 : i32
      scf.if %cond3A_262 {
        %add3A_531 = arith.constant 6 : i32
        %add3A_532 = arith.addi %add3A_237, %add3A_531 : i32
        %sub3A_533 = arith.constant 1 : i32
        %sub3A_534 = arith.subi %add3A_532, %sub3A_533 : i32
        %jit3A_535 = arith.constant 6 : i32
        %eq3A_536 = arith.constant 0 : i32
        %eq3A_537 = arith.cmpi eq, %jit3A_535, %eq3A_536 : i32
        %jit3A_538 = arith.constant 1 : i32
        %select_n3A_539 = arith.select %eq3A_537, %jit3A_538, %jit3A_535 : i32
        %rem3A_540 = arith.remsi %sub3A_534, %select_n3A_539 : i32
        %ne3A_541 = arith.constant 0 : i32
        %ne3A_542 = arith.cmpi ne, %rem3A_540, %ne3A_541 : i32
        %lt3A_543 = arith.constant 0 : i32
        %lt3A_544 = arith.cmpi slt, %rem3A_540, %lt3A_543 : i32
        %lt3A_545 = arith.constant 0 : i32
        %lt3A_546 = arith.cmpi slt, %select_n3A_539, %lt3A_545 : i32
        %ne3A_547 = arith.xori %lt3A_544, %lt3A_546 : i1
        %and3A_548 = arith.andi %ne3A_547, %ne3A_542 : i1
        %add3A_549 = arith.addi %rem3A_540, %select_n3A_539 : i32
        %select_n3A_550 = arith.select %and3A_548, %add3A_549, %rem3A_540 : i32
        %mul3A_551 = arith.constant 4096 : i32
        %mul3A_552 = arith.muli %select_n3A_550, %mul3A_551 : i32
        %dma_start3A_553 = tpu.memref_slice %arg12[%mul3A_552] : memref<24576xi32, #tpu.memory_space<vmem_shared>> -> memref<4096xi32, #tpu.memory_space<vmem_shared>>
        %dma_start3A_554 = arith.constant 0 : i32
        %dma_start3A_555 = tpu.memref_slice %arg3[%sub3A_534, %dma_start3A_554] : memref<200x4096xi32, #tpu.memory_space<hbm>> -> memref<1x4096xi32, #tpu.memory_space<hbm>>
        %dma_start3A_556 = tpu.memref_squeeze %dma_start3A_555 : memref<1x4096xi32, #tpu.memory_space<hbm>> -> memref<4096xi32, #tpu.memory_space<hbm>>
        tpu.enqueue_dma source(%dma_start3A_556 : memref<4096xi32, #tpu.memory_space<hbm>>) target(%dma_start3A_553 : memref<4096xi32, #tpu.memory_space<vmem_shared>>) target_semaphore(%arg19 : memref<!tpu.dma_semaphore, #tpu.memory_space<semaphore_mem>>)
      } else {
      }
      %add3A_263 = arith.constant 3 : i32
      %add3A_264 = arith.addi %add3A_237, %add3A_263 : i32
      %sub3A_265 = arith.constant 1 : i32
      %sub3A_266 = arith.subi %add3A_264, %sub3A_265 : i32
      %lt3A_267 = arith.constant 200 : i32
      %lt3A_268 = arith.cmpi slt, %sub3A_266, %lt3A_267 : i32
      %convert_element_type3A_269 = arith.extui %lt3A_268 : i1 to i32
      %cond3A_270 = arith.constant 0 : i32
      %cond3A_271 = arith.cmpi ne, %convert_element_type3A_269, %cond3A_270 : i32
      scf.if %cond3A_271 {
        %add3A_531 = arith.constant 3 : i32
        %add3A_532 = arith.addi %add3A_237, %add3A_531 : i32
        %sub3A_533 = arith.constant 1 : i32
        %sub3A_534 = arith.subi %add3A_532, %sub3A_533 : i32
        %jit3A_535 = arith.constant 6 : i32
        %eq3A_536 = arith.constant 0 : i32
        %eq3A_537 = arith.cmpi eq, %jit3A_535, %eq3A_536 : i32
        %jit3A_538 = arith.constant 1 : i32
        %select_n3A_539 = arith.select %eq3A_537, %jit3A_538, %jit3A_535 : i32
        %rem3A_540 = arith.remsi %sub3A_534, %select_n3A_539 : i32
        %ne3A_541 = arith.constant 0 : i32
        %ne3A_542 = arith.cmpi ne, %rem3A_540, %ne3A_541 : i32
        %lt3A_543 = arith.constant 0 : i32
        %lt3A_544 = arith.cmpi slt, %rem3A_540, %lt3A_543 : i32
        %lt3A_545 = arith.constant 0 : i32
        %lt3A_546 = arith.cmpi slt, %select_n3A_539, %lt3A_545 : i32
        %ne3A_547 = arith.xori %lt3A_544, %lt3A_546 : i1
        %and3A_548 = arith.andi %ne3A_547, %ne3A_542 : i1
        %add3A_549 = arith.addi %rem3A_540, %select_n3A_539 : i32
        %select_n3A_550 = arith.select %and3A_548, %add3A_549, %rem3A_540 : i32
        %mul3A_551 = arith.constant 4096 : i32
        %mul3A_552 = arith.muli %select_n3A_550, %mul3A_551 : i32
        %dma_start3A_553 = tpu.memref_slice %arg12[%mul3A_552] : memref<24576xi32, #tpu.memory_space<vmem_shared>> -> memref<4096xi32, #tpu.memory_space<vmem_shared>>
        %dma_start3A_554 = tpu.memref_slice %arg12[%mul3A_552] : memref<24576xi32, #tpu.memory_space<vmem_shared>> -> memref<4096xi32, #tpu.memory_space<vmem_shared>>
        tpu.enqueue_dma source(%dma_start3A_554 : memref<4096xi32, #tpu.memory_space<vmem_shared>>) target(%arg7 : memref<4096xi32, #tpu.memory_space<vmem>>) target_semaphore(%arg14 : memref<!tpu.dma_semaphore, #tpu.memory_space<semaphore_mem>>)
      } else {
      }
      %jit3A_272 = arith.constant 6 : i32
      %eq3A_273 = arith.constant 0 : i32
      %eq3A_274 = arith.cmpi eq, %jit3A_272, %eq3A_273 : i32
      %jit3A_275 = arith.constant 1 : i32
      %select_n3A_276 = arith.select %eq3A_274, %jit3A_275, %jit3A_272 : i32
      %rem3A_277 = arith.remsi %add3A_237, %select_n3A_276 : i32
      %ne3A_278 = arith.constant 0 : i32
      %ne3A_279 = arith.cmpi ne, %rem3A_277, %ne3A_278 : i32
      %lt3A_280 = arith.constant 0 : i32
      %lt3A_281 = arith.cmpi slt, %rem3A_277, %lt3A_280 : i32
      %lt3A_282 = arith.constant 0 : i32
      %lt3A_283 = arith.cmpi slt, %select_n3A_276, %lt3A_282 : i32
      %ne3A_284 = arith.xori %lt3A_281, %lt3A_283 : i1
      %and3A_285 = arith.andi %ne3A_284, %ne3A_279 : i1
      %add3A_286 = arith.addi %rem3A_277, %select_n3A_276 : i32
      %select_n3A_287 = arith.select %and3A_285, %add3A_286, %rem3A_277 : i32
      %mul3A_288 = arith.constant 4096 : i32
      %mul3A_289 = arith.muli %select_n3A_287, %mul3A_288 : i32
      %dma_wait3A_290 = tpu.memref_slice %arg12[%mul3A_289] : memref<24576xi32, #tpu.memory_space<vmem_shared>> -> memref<4096xi32, #tpu.memory_space<vmem_shared>>
      %dma_wait3A_291 = tpu.memref_slice %arg12[%mul3A_289] : memref<24576xi32, #tpu.memory_space<vmem_shared>> -> memref<4096xi32, #tpu.memory_space<vmem_shared>>
      tpu.wait_dma2 semaphore(%arg15 : memref<!tpu.dma_semaphore, #tpu.memory_space<semaphore_mem>>) src(%dma_wait3A_291 : memref<4096xi32, #tpu.memory_space<vmem_shared>>) dst(%arg8 : memref<4096xi32, #tpu.memory_space<vmem>>)
      %gt3A_292 = arith.constant 0 : i32
      %gt3A_293 = arith.cmpi sgt, %scan3A_96, %gt3A_292 : i32
      %convert_element_type3A_294 = arith.extui %gt3A_293 : i1 to i32
      %cond3A_295 = arith.constant 0 : i32
      %cond3A_296 = arith.cmpi ne, %convert_element_type3A_294, %cond3A_295 : i32
      scf.if %cond3A_296 {
        %sub3A_531 = arith.constant 3 : i32
        %sub3A_532 = arith.subi %add3A_237, %sub3A_531 : i32
        %dma_wait3A_533 = arith.constant 0 : i32
        %dma_wait3A_534 = tpu.memref_slice %arg4[%sub3A_532, %add3A, %dma_wait3A_533] : memref<200x32x4096xf32, #tpu.memory_space<hbm>> -> memref<1x1x4096xf32, #tpu.memory_space<hbm>>
        %dma_wait3A_535 = tpu.memref_squeeze %dma_wait3A_534 : memref<1x1x4096xf32, #tpu.memory_space<hbm>> -> memref<4096xf32, #tpu.memory_space<hbm>>
        %dma_wait3A_536 = arith.constant 0 : i32
        %dma_wait3A_537 = tpu.memref_slice %arg4[%sub3A_532, %add3A, %dma_wait3A_536] : memref<200x32x4096xf32, #tpu.memory_space<hbm>> -> memref<1x1x4096xf32, #tpu.memory_space<hbm>>
        %dma_wait3A_538 = tpu.memref_squeeze %dma_wait3A_537 : memref<1x1x4096xf32, #tpu.memory_space<hbm>> -> memref<4096xf32, #tpu.memory_space<hbm>>
        tpu.wait_dma2 semaphore(%arg18 : memref<!tpu.dma_semaphore, #tpu.memory_space<semaphore_mem>>) src(%arg11 : memref<4096xf32, #tpu.memory_space<vmem>>) dst(%dma_wait3A_538 : memref<4096xf32, #tpu.memory_space<hbm>>)
      } else {
      }
      %parallel_loop3A_297 = arith.constant 0 : i32
      %parallel_loop3A_298 = arith.constant 256 : i32
      %parallel_loop3A_299 = arith.constant 1 : i32
      scf.for %parallel_loop3A_531 = %parallel_loop3A_297 to %parallel_loop3A_298 step %parallel_loop3A_299  : i32 {
        %parallel_loop3A_532 = arith.constant 16 : i32
        %parallel_loop3A_533 = arith.muli %parallel_loop3A_531, %parallel_loop3A_532 : i32
        %parallel_loop3A_534 = arith.index_cast %parallel_loop3A_533 : i32 to index
        %parallel_loop3A_535 = tpu.vector_load %arg8[%parallel_loop3A_534] {strides = array<i32>} : memref<4096xi32, #tpu.memory_space<vmem>>, vector<16xi32>,
        %parallel_loop3A_536 = tpu.vector_load_idx %arg5[%parallel_loop3A_535] : memref<100000xf32, #tpu.memory_space<vmem>>[vector<16xi32>], vector<16xf32>,
        %parallel_loop3A_537 = arith.constant 16 : i32
        %parallel_loop3A_538 = arith.muli %parallel_loop3A_531, %parallel_loop3A_537 : i32
        %parallel_loop3A_539 = arith.index_cast %parallel_loop3A_538 : i32 to index
        %parallel_loop3A_540 = tpu.vector_load %arg11[%parallel_loop3A_539] {strides = array<i32>} : memref<4096xf32, #tpu.memory_space<vmem>>, vector<16xf32>,
        tpu.vector_store %arg11[%parallel_loop3A_539], %parallel_loop3A_536 {strides = array<i32>} : memref<4096xf32, #tpu.memory_space<vmem>>, vector<16xf32>,
      } {sc.loop_unroll_factor = 16 : i64, sc.parallel_access}
      %dma_start3A_300 = arith.constant 0 : i32
      %dma_start3A_301 = tpu.memref_slice %arg4[%add3A_237, %add3A, %dma_start3A_300] : memref<200x32x4096xf32, #tpu.memory_space<hbm>> -> memref<1x1x4096xf32, #tpu.memory_space<hbm>>
      %dma_start3A_302 = tpu.memref_squeeze %dma_start3A_301 : memref<1x1x4096xf32, #tpu.memory_space<hbm>> -> memref<4096xf32, #tpu.memory_space<hbm>>
      %dma_start3A_303 = arith.constant 0 : i32
      %dma_start3A_304 = tpu.memref_slice %arg4[%add3A_237, %add3A, %dma_start3A_303] : memref<200x32x4096xf32, #tpu.memory_space<hbm>> -> memref<1x1x4096xf32, #tpu.memory_space<hbm>>
      %dma_start3A_305 = tpu.memref_squeeze %dma_start3A_304 : memref<1x1x4096xf32, #tpu.memory_space<hbm>> -> memref<4096xf32, #tpu.memory_space<hbm>>
      tpu.enqueue_dma source(%arg11 : memref<4096xf32, #tpu.memory_space<vmem>>) target(%dma_start3A_305 : memref<4096xf32, #tpu.memory_space<hbm>>) target_semaphore(%arg18 : memref<!tpu.dma_semaphore, #tpu.memory_space<semaphore_mem>>)
      %mul3A_306 = arith.constant 6 : i32
      %mul3A_307 = arith.muli %mul3A_306, %scan3A_96 : i32
      %add3A_308 = arith.constant 3 : i32
      %add3A_309 = arith.addi %mul3A_307, %add3A_308 : i32
      %eq3A_310 = arith.constant 0 : i32
      %eq3A_311 = arith.cmpi eq, %arg1, %eq3A_310 : i32
      %add3A_312 = arith.constant 3 : i32
      %add3A_313 = arith.addi %add3A_309, %add3A_312 : i32
      %sub3A_314 = arith.constant 1 : i32
      %sub3A_315 = arith.subi %add3A_313, %sub3A_314 : i32
      %lt3A_316 = arith.constant 200 : i32
      %lt3A_317 = arith.cmpi slt, %sub3A_315, %lt3A_316 : i32
      %and3A_318 = arith.andi %eq3A_311, %lt3A_317 : i1
      %convert_element_type3A_319 = arith.extui %and3A_318 : i1 to i32
      %cond3A_320 = arith.constant 0 : i32
      %cond3A_321 = arith.cmpi ne, %convert_element_type3A_319, %cond3A_320 : i32
      scf.if %cond3A_321 {
        %add3A_531 = arith.constant 3 : i32
        %add3A_532 = arith.addi %add3A_309, %add3A_531 : i32
        %sub3A_533 = arith.constant 1 : i32
        %sub3A_534 = arith.subi %add3A_532, %sub3A_533 : i32
        %jit3A_535 = arith.constant 6 : i32
        %eq3A_536 = arith.constant 0 : i32
        %eq3A_537 = arith.cmpi eq, %jit3A_535, %eq3A_536 : i32
        %jit3A_538 = arith.constant 1 : i32
        %select_n3A_539 = arith.select %eq3A_537, %jit3A_538, %jit3A_535 : i32
        %rem3A_540 = arith.remsi %sub3A_534, %select_n3A_539 : i32
        %ne3A_541 = arith.constant 0 : i32
        %ne3A_542 = arith.cmpi ne, %rem3A_540, %ne3A_541 : i32
        %lt3A_543 = arith.constant 0 : i32
        %lt3A_544 = arith.cmpi slt, %rem3A_540, %lt3A_543 : i32
        %lt3A_545 = arith.constant 0 : i32
        %lt3A_546 = arith.cmpi slt, %select_n3A_539, %lt3A_545 : i32
        %ne3A_547 = arith.xori %lt3A_544, %lt3A_546 : i1
        %and3A_548 = arith.andi %ne3A_547, %ne3A_542 : i1
        %add3A_549 = arith.addi %rem3A_540, %select_n3A_539 : i32
        %select_n3A_550 = arith.select %and3A_548, %add3A_549, %rem3A_540 : i32
        %mul3A_551 = arith.constant 4096 : i32
        %mul3A_552 = arith.muli %select_n3A_550, %mul3A_551 : i32
        %dma_wait3A_553 = tpu.memref_slice %arg12[%mul3A_552] : memref<24576xi32, #tpu.memory_space<vmem_shared>> -> memref<4096xi32, #tpu.memory_space<vmem_shared>>
        %dma_wait3A_554 = arith.constant 0 : i32
        %dma_wait3A_555 = tpu.memref_slice %arg3[%sub3A_534, %dma_wait3A_554] : memref<200x4096xi32, #tpu.memory_space<hbm>> -> memref<1x4096xi32, #tpu.memory_space<hbm>>
        %dma_wait3A_556 = tpu.memref_squeeze %dma_wait3A_555 : memref<1x4096xi32, #tpu.memory_space<hbm>> -> memref<4096xi32, #tpu.memory_space<hbm>>
        tpu.wait_dma2 semaphore(%arg19 : memref<!tpu.dma_semaphore, #tpu.memory_space<semaphore_mem>>) src(%dma_wait3A_556 : memref<4096xi32, #tpu.memory_space<hbm>>) dst(%dma_wait3A_553 : memref<4096xi32, #tpu.memory_space<vmem_shared>>)
      } else {
      }
      %barrier3A_322 = arith.constant 0 : index
      tpu.barrier barrier_id(%barrier3A_322)
      %eq3A_323 = arith.constant 0 : i32
      %eq3A_324 = arith.cmpi eq, %arg1, %eq3A_323 : i32
      %add3A_325 = arith.constant 6 : i32
      %add3A_326 = arith.addi %add3A_309, %add3A_325 : i32
      %sub3A_327 = arith.constant 1 : i32
      %sub3A_328 = arith.subi %add3A_326, %sub3A_327 : i32
      %lt3A_329 = arith.constant 200 : i32
      %lt3A_330 = arith.cmpi slt, %sub3A_328, %lt3A_329 : i32
      %and3A_331 = arith.andi %eq3A_324, %lt3A_330 : i1
      %convert_element_type3A_332 = arith.extui %and3A_331 : i1 to i32
      %cond3A_333 = arith.constant 0 : i32
      %cond3A_334 = arith.cmpi ne, %convert_element_type3A_332, %cond3A_333 : i32
      scf.if %cond3A_334 {
        %add3A_531 = arith.constant 6 : i32
        %add3A_532 = arith.addi %add3A_309, %add3A_531 : i32
        %sub3A_533 = arith.constant 1 : i32
        %sub3A_534 = arith.subi %add3A_532, %sub3A_533 : i32
        %jit3A_535 = arith.constant 6 : i32
        %eq3A_536 = arith.constant 0 : i32
        %eq3A_537 = arith.cmpi eq, %jit3A_535, %eq3A_536 : i32
        %jit3A_538 = arith.constant 1 : i32
        %select_n3A_539 = arith.select %eq3A_537, %jit3A_538, %jit3A_535 : i32
        %rem3A_540 = arith.remsi %sub3A_534, %select_n3A_539 : i32
        %ne3A_541 = arith.constant 0 : i32
        %ne3A_542 = arith.cmpi ne, %rem3A_540, %ne3A_541 : i32
        %lt3A_543 = arith.constant 0 : i32
        %lt3A_544 = arith.cmpi slt, %rem3A_540, %lt3A_543 : i32
        %lt3A_545 = arith.constant 0 : i32
        %lt3A_546 = arith.cmpi slt, %select_n3A_539, %lt3A_545 : i32
        %ne3A_547 = arith.xori %lt3A_544, %lt3A_546 : i1
        %and3A_548 = arith.andi %ne3A_547, %ne3A_542 : i1
        %add3A_549 = arith.addi %rem3A_540, %select_n3A_539 : i32
        %select_n3A_550 = arith.select %and3A_548, %add3A_549, %rem3A_540 : i32
        %mul3A_551 = arith.constant 4096 : i32
        %mul3A_552 = arith.muli %select_n3A_550, %mul3A_551 : i32
        %dma_start3A_553 = tpu.memref_slice %arg12[%mul3A_552] : memref<24576xi32, #tpu.memory_space<vmem_shared>> -> memref<4096xi32, #tpu.memory_space<vmem_shared>>
        %dma_start3A_554 = arith.constant 0 : i32
        %dma_start3A_555 = tpu.memref_slice %arg3[%sub3A_534, %dma_start3A_554] : memref<200x4096xi32, #tpu.memory_space<hbm>> -> memref<1x4096xi32, #tpu.memory_space<hbm>>
        %dma_start3A_556 = tpu.memref_squeeze %dma_start3A_555 : memref<1x4096xi32, #tpu.memory_space<hbm>> -> memref<4096xi32, #tpu.memory_space<hbm>>
        tpu.enqueue_dma source(%dma_start3A_556 : memref<4096xi32, #tpu.memory_space<hbm>>) target(%dma_start3A_553 : memref<4096xi32, #tpu.memory_space<vmem_shared>>) target_semaphore(%arg19 : memref<!tpu.dma_semaphore, #tpu.memory_space<semaphore_mem>>)
      } else {
      }
      %add3A_335 = arith.constant 3 : i32
      %add3A_336 = arith.addi %add3A_309, %add3A_335 : i32
      %sub3A_337 = arith.constant 1 : i32
      %sub3A_338 = arith.subi %add3A_336, %sub3A_337 : i32
      %lt3A_339 = arith.constant 200 : i32
      %lt3A_340 = arith.cmpi slt, %sub3A_338, %lt3A_339 : i32
      %convert_element_type3A_341 = arith.extui %lt3A_340 : i1 to i32
      %cond3A_342 = arith.constant 0 : i32
      %cond3A_343 = arith.cmpi ne, %convert_element_type3A_341, %cond3A_342 : i32
      scf.if %cond3A_343 {
        %add3A_531 = arith.constant 3 : i32
        %add3A_532 = arith.addi %add3A_309, %add3A_531 : i32
        %sub3A_533 = arith.constant 1 : i32
        %sub3A_534 = arith.subi %add3A_532, %sub3A_533 : i32
        %jit3A_535 = arith.constant 6 : i32
        %eq3A_536 = arith.constant 0 : i32
        %eq3A_537 = arith.cmpi eq, %jit3A_535, %eq3A_536 : i32
        %jit3A_538 = arith.constant 1 : i32
        %select_n3A_539 = arith.select %eq3A_537, %jit3A_538, %jit3A_535 : i32
        %rem3A_540 = arith.remsi %sub3A_534, %select_n3A_539 : i32
        %ne3A_541 = arith.constant 0 : i32
        %ne3A_542 = arith.cmpi ne, %rem3A_540, %ne3A_541 : i32
        %lt3A_543 = arith.constant 0 : i32
        %lt3A_544 = arith.cmpi slt, %rem3A_540, %lt3A_543 : i32
        %lt3A_545 = arith.constant 0 : i32
        %lt3A_546 = arith.cmpi slt, %select_n3A_539, %lt3A_545 : i32
        %ne3A_547 = arith.xori %lt3A_544, %lt3A_546 : i1
        %and3A_548 = arith.andi %ne3A_547, %ne3A_542 : i1
        %add3A_549 = arith.addi %rem3A_540, %select_n3A_539 : i32
        %select_n3A_550 = arith.select %and3A_548, %add3A_549, %rem3A_540 : i32
        %mul3A_551 = arith.constant 4096 : i32
        %mul3A_552 = arith.muli %select_n3A_550, %mul3A_551 : i32
        %dma_start3A_553 = tpu.memref_slice %arg12[%mul3A_552] : memref<24576xi32, #tpu.memory_space<vmem_shared>> -> memref<4096xi32, #tpu.memory_space<vmem_shared>>
        %dma_start3A_554 = tpu.memref_slice %arg12[%mul3A_552] : memref<24576xi32, #tpu.memory_space<vmem_shared>> -> memref<4096xi32, #tpu.memory_space<vmem_shared>>
        tpu.enqueue_dma source(%dma_start3A_554 : memref<4096xi32, #tpu.memory_space<vmem_shared>>) target(%arg8 : memref<4096xi32, #tpu.memory_space<vmem>>) target_semaphore(%arg15 : memref<!tpu.dma_semaphore, #tpu.memory_space<semaphore_mem>>)
      } else {
      }
      %jit3A_344 = arith.constant 6 : i32
      %eq3A_345 = arith.constant 0 : i32
      %eq3A_346 = arith.cmpi eq, %jit3A_344, %eq3A_345 : i32
      %jit3A_347 = arith.constant 1 : i32
      %select_n3A_348 = arith.select %eq3A_346, %jit3A_347, %jit3A_344 : i32
      %rem3A_349 = arith.remsi %add3A_309, %select_n3A_348 : i32
      %ne3A_350 = arith.constant 0 : i32
      %ne3A_351 = arith.cmpi ne, %rem3A_349, %ne3A_350 : i32
      %lt3A_352 = arith.constant 0 : i32
      %lt3A_353 = arith.cmpi slt, %rem3A_349, %lt3A_352 : i32
      %lt3A_354 = arith.constant 0 : i32
      %lt3A_355 = arith.cmpi slt, %select_n3A_348, %lt3A_354 : i32
      %ne3A_356 = arith.xori %lt3A_353, %lt3A_355 : i1
      %and3A_357 = arith.andi %ne3A_356, %ne3A_351 : i1
      %add3A_358 = arith.addi %rem3A_349, %select_n3A_348 : i32
      %select_n3A_359 = arith.select %and3A_357, %add3A_358, %rem3A_349 : i32
      %mul3A_360 = arith.constant 4096 : i32
      %mul3A_361 = arith.muli %select_n3A_359, %mul3A_360 : i32
      %dma_wait3A_362 = tpu.memref_slice %arg12[%mul3A_361] : memref<24576xi32, #tpu.memory_space<vmem_shared>> -> memref<4096xi32, #tpu.memory_space<vmem_shared>>
      %dma_wait3A_363 = tpu.memref_slice %arg12[%mul3A_361] : memref<24576xi32, #tpu.memory_space<vmem_shared>> -> memref<4096xi32, #tpu.memory_space<vmem_shared>>
      tpu.wait_dma2 semaphore(%arg13 : memref<!tpu.dma_semaphore, #tpu.memory_space<semaphore_mem>>) src(%dma_wait3A_363 : memref<4096xi32, #tpu.memory_space<vmem_shared>>) dst(%arg6 : memref<4096xi32, #tpu.memory_space<vmem>>)
      %sub3A_364 = arith.constant 3 : i32
      %sub3A_365 = arith.subi %add3A_309, %sub3A_364 : i32
      %dma_wait3A_366 = arith.constant 0 : i32
      %dma_wait3A_367 = tpu.memref_slice %arg4[%sub3A_365, %add3A, %dma_wait3A_366] : memref<200x32x4096xf32, #tpu.memory_space<hbm>> -> memref<1x1x4096xf32, #tpu.memory_space<hbm>>
      %dma_wait3A_368 = tpu.memref_squeeze %dma_wait3A_367 : memref<1x1x4096xf32, #tpu.memory_space<hbm>> -> memref<4096xf32, #tpu.memory_space<hbm>>
      %dma_wait3A_369 = arith.constant 0 : i32
      %dma_wait3A_370 = tpu.memref_slice %arg4[%sub3A_365, %add3A, %dma_wait3A_369] : memref<200x32x4096xf32, #tpu.memory_space<hbm>> -> memref<1x1x4096xf32, #tpu.memory_space<hbm>>
      %dma_wait3A_371 = tpu.memref_squeeze %dma_wait3A_370 : memref<1x1x4096xf32, #tpu.memory_space<hbm>> -> memref<4096xf32, #tpu.memory_space<hbm>>
      tpu.wait_dma2 semaphore(%arg16 : memref<!tpu.dma_semaphore, #tpu.memory_space<semaphore_mem>>) src(%arg9 : memref<4096xf32, #tpu.memory_space<vmem>>) dst(%dma_wait3A_371 : memref<4096xf32, #tpu.memory_space<hbm>>)
      %parallel_loop3A_372 = arith.constant 0 : i32
      %parallel_loop3A_373 = arith.constant 256 : i32
      %parallel_loop3A_374 = arith.constant 1 : i32
      scf.for %parallel_loop3A_531 = %parallel_loop3A_372 to %parallel_loop3A_373 step %parallel_loop3A_374  : i32 {
        %parallel_loop3A_532 = arith.constant 16 : i32
        %parallel_loop3A_533 = arith.muli %parallel_loop3A_531, %parallel_loop3A_532 : i32
        %parallel_loop3A_534 = arith.index_cast %parallel_loop3A_533 : i32 to index
        %parallel_loop3A_535 = tpu.vector_load %arg6[%parallel_loop3A_534] {strides = array<i32>} : memref<4096xi32, #tpu.memory_space<vmem>>, vector<16xi32>,
        %parallel_loop3A_536 = tpu.vector_load_idx %arg5[%parallel_loop3A_535] : memref<100000xf32, #tpu.memory_space<vmem>>[vector<16xi32>], vector<16xf32>,
        %parallel_loop3A_537 = arith.constant 16 : i32
        %parallel_loop3A_538 = arith.muli %parallel_loop3A_531, %parallel_loop3A_537 : i32
        %parallel_loop3A_539 = arith.index_cast %parallel_loop3A_538 : i32 to index
        %parallel_loop3A_540 = tpu.vector_load %arg9[%parallel_loop3A_539] {strides = array<i32>} : memref<4096xf32, #tpu.memory_space<vmem>>, vector<16xf32>,
        tpu.vector_store %arg9[%parallel_loop3A_539], %parallel_loop3A_536 {strides = array<i32>} : memref<4096xf32, #tpu.memory_space<vmem>>, vector<16xf32>,
      } {sc.loop_unroll_factor = 16 : i64, sc.parallel_access}
      %dma_start3A_375 = arith.constant 0 : i32
      %dma_start3A_376 = tpu.memref_slice %arg4[%add3A_309, %add3A, %dma_start3A_375] : memref<200x32x4096xf32, #tpu.memory_space<hbm>> -> memref<1x1x4096xf32, #tpu.memory_space<hbm>>
      %dma_start3A_377 = tpu.memref_squeeze %dma_start3A_376 : memref<1x1x4096xf32, #tpu.memory_space<hbm>> -> memref<4096xf32, #tpu.memory_space<hbm>>
      %dma_start3A_378 = arith.constant 0 : i32
      %dma_start3A_379 = tpu.memref_slice %arg4[%add3A_309, %add3A, %dma_start3A_378] : memref<200x32x4096xf32, #tpu.memory_space<hbm>> -> memref<1x1x4096xf32, #tpu.memory_space<hbm>>
      %dma_start3A_380 = tpu.memref_squeeze %dma_start3A_379 : memref<1x1x4096xf32, #tpu.memory_space<hbm>> -> memref<4096xf32, #tpu.memory_space<hbm>>
      tpu.enqueue_dma source(%arg9 : memref<4096xf32, #tpu.memory_space<vmem>>) target(%dma_start3A_380 : memref<4096xf32, #tpu.memory_space<hbm>>) target_semaphore(%arg16 : memref<!tpu.dma_semaphore, #tpu.memory_space<semaphore_mem>>)
      %mul3A_381 = arith.constant 6 : i32
      %mul3A_382 = arith.muli %mul3A_381, %scan3A_96 : i32
      %add3A_383 = arith.constant 4 : i32
      %add3A_384 = arith.addi %mul3A_382, %add3A_383 : i32
      %eq3A_385 = arith.constant 0 : i32
      %eq3A_386 = arith.cmpi eq, %arg1, %eq3A_385 : i32
      %add3A_387 = arith.constant 3 : i32
      %add3A_388 = arith.addi %add3A_384, %add3A_387 : i32
      %sub3A_389 = arith.constant 1 : i32
      %sub3A_390 = arith.subi %add3A_388, %sub3A_389 : i32
      %lt3A_391 = arith.constant 200 : i32
      %lt3A_392 = arith.cmpi slt, %sub3A_390, %lt3A_391 : i32
      %and3A_393 = arith.andi %eq3A_386, %lt3A_392 : i1
      %convert_element_type3A_394 = arith.extui %and3A_393 : i1 to i32
      %cond3A_395 = arith.constant 0 : i32
      %cond3A_396 = arith.cmpi ne, %convert_element_type3A_394, %cond3A_395 : i32
      scf.if %cond3A_396 {
        %add3A_531 = arith.constant 3 : i32
        %add3A_532 = arith.addi %add3A_384, %add3A_531 : i32
        %sub3A_533 = arith.constant 1 : i32
        %sub3A_534 = arith.subi %add3A_532, %sub3A_533 : i32
        %jit3A_535 = arith.constant 6 : i32
        %eq3A_536 = arith.constant 0 : i32
        %eq3A_537 = arith.cmpi eq, %jit3A_535, %eq3A_536 : i32
        %jit3A_538 = arith.constant 1 : i32
        %select_n3A_539 = arith.select %eq3A_537, %jit3A_538, %jit3A_535 : i32
        %rem3A_540 = arith.remsi %sub3A_534, %select_n3A_539 : i32
        %ne3A_541 = arith.constant 0 : i32
        %ne3A_542 = arith.cmpi ne, %rem3A_540, %ne3A_541 : i32
        %lt3A_543 = arith.constant 0 : i32
        %lt3A_544 = arith.cmpi slt, %rem3A_540, %lt3A_543 : i32
        %lt3A_545 = arith.constant 0 : i32
        %lt3A_546 = arith.cmpi slt, %select_n3A_539, %lt3A_545 : i32
        %ne3A_547 = arith.xori %lt3A_544, %lt3A_546 : i1
        %and3A_548 = arith.andi %ne3A_547, %ne3A_542 : i1
        %add3A_549 = arith.addi %rem3A_540, %select_n3A_539 : i32
        %select_n3A_550 = arith.select %and3A_548, %add3A_549, %rem3A_540 : i32
        %mul3A_551 = arith.constant 4096 : i32
        %mul3A_552 = arith.muli %select_n3A_550, %mul3A_551 : i32
        %dma_wait3A_553 = tpu.memref_slice %arg12[%mul3A_552] : memref<24576xi32, #tpu.memory_space<vmem_shared>> -> memref<4096xi32, #tpu.memory_space<vmem_shared>>
        %dma_wait3A_554 = arith.constant 0 : i32
        %dma_wait3A_555 = tpu.memref_slice %arg3[%sub3A_534, %dma_wait3A_554] : memref<200x4096xi32, #tpu.memory_space<hbm>> -> memref<1x4096xi32, #tpu.memory_space<hbm>>
        %dma_wait3A_556 = tpu.memref_squeeze %dma_wait3A_555 : memref<1x4096xi32, #tpu.memory_space<hbm>> -> memref<4096xi32, #tpu.memory_space<hbm>>
        tpu.wait_dma2 semaphore(%arg19 : memref<!tpu.dma_semaphore, #tpu.memory_space<semaphore_mem>>) src(%dma_wait3A_556 : memref<4096xi32, #tpu.memory_space<hbm>>) dst(%dma_wait3A_553 : memref<4096xi32, #tpu.memory_space<vmem_shared>>)
      } else {
      }
      %barrier3A_397 = arith.constant 0 : index
      tpu.barrier barrier_id(%barrier3A_397)
      %eq3A_398 = arith.constant 0 : i32
      %eq3A_399 = arith.cmpi eq, %arg1, %eq3A_398 : i32
      %add3A_400 = arith.constant 6 : i32
      %add3A_401 = arith.addi %add3A_384, %add3A_400 : i32
      %sub3A_402 = arith.constant 1 : i32
      %sub3A_403 = arith.subi %add3A_401, %sub3A_402 : i32
      %lt3A_404 = arith.constant 200 : i32
      %lt3A_405 = arith.cmpi slt, %sub3A_403, %lt3A_404 : i32
      %and3A_406 = arith.andi %eq3A_399, %lt3A_405 : i1
      %convert_element_type3A_407 = arith.extui %and3A_406 : i1 to i32
      %cond3A_408 = arith.constant 0 : i32
      %cond3A_409 = arith.cmpi ne, %convert_element_type3A_407, %cond3A_408 : i32
      scf.if %cond3A_409 {
        %add3A_531 = arith.constant 6 : i32
        %add3A_532 = arith.addi %add3A_384, %add3A_531 : i32
        %sub3A_533 = arith.constant 1 : i32
        %sub3A_534 = arith.subi %add3A_532, %sub3A_533 : i32
        %jit3A_535 = arith.constant 6 : i32
        %eq3A_536 = arith.constant 0 : i32
        %eq3A_537 = arith.cmpi eq, %jit3A_535, %eq3A_536 : i32
        %jit3A_538 = arith.constant 1 : i32
        %select_n3A_539 = arith.select %eq3A_537, %jit3A_538, %jit3A_535 : i32
        %rem3A_540 = arith.remsi %sub3A_534, %select_n3A_539 : i32
        %ne3A_541 = arith.constant 0 : i32
        %ne3A_542 = arith.cmpi ne, %rem3A_540, %ne3A_541 : i32
        %lt3A_543 = arith.constant 0 : i32
        %lt3A_544 = arith.cmpi slt, %rem3A_540, %lt3A_543 : i32
        %lt3A_545 = arith.constant 0 : i32
        %lt3A_546 = arith.cmpi slt, %select_n3A_539, %lt3A_545 : i32
        %ne3A_547 = arith.xori %lt3A_544, %lt3A_546 : i1
        %and3A_548 = arith.andi %ne3A_547, %ne3A_542 : i1
        %add3A_549 = arith.addi %rem3A_540, %select_n3A_539 : i32
        %select_n3A_550 = arith.select %and3A_548, %add3A_549, %rem3A_540 : i32
        %mul3A_551 = arith.constant 4096 : i32
        %mul3A_552 = arith.muli %select_n3A_550, %mul3A_551 : i32
        %dma_start3A_553 = tpu.memref_slice %arg12[%mul3A_552] : memref<24576xi32, #tpu.memory_space<vmem_shared>> -> memref<4096xi32, #tpu.memory_space<vmem_shared>>
        %dma_start3A_554 = arith.constant 0 : i32
        %dma_start3A_555 = tpu.memref_slice %arg3[%sub3A_534, %dma_start3A_554] : memref<200x4096xi32, #tpu.memory_space<hbm>> -> memref<1x4096xi32, #tpu.memory_space<hbm>>
        %dma_start3A_556 = tpu.memref_squeeze %dma_start3A_555 : memref<1x4096xi32, #tpu.memory_space<hbm>> -> memref<4096xi32, #tpu.memory_space<hbm>>
        tpu.enqueue_dma source(%dma_start3A_556 : memref<4096xi32, #tpu.memory_space<hbm>>) target(%dma_start3A_553 : memref<4096xi32, #tpu.memory_space<vmem_shared>>) target_semaphore(%arg19 : memref<!tpu.dma_semaphore, #tpu.memory_space<semaphore_mem>>)
      } else {
      }
      %add3A_410 = arith.constant 3 : i32
      %add3A_411 = arith.addi %add3A_384, %add3A_410 : i32
      %sub3A_412 = arith.constant 1 : i32
      %sub3A_413 = arith.subi %add3A_411, %sub3A_412 : i32
      %lt3A_414 = arith.constant 200 : i32
      %lt3A_415 = arith.cmpi slt, %sub3A_413, %lt3A_414 : i32
      %convert_element_type3A_416 = arith.extui %lt3A_415 : i1 to i32
      %cond3A_417 = arith.constant 0 : i32
      %cond3A_418 = arith.cmpi ne, %convert_element_type3A_416, %cond3A_417 : i32
      scf.if %cond3A_418 {
        %add3A_531 = arith.constant 3 : i32
        %add3A_532 = arith.addi %add3A_384, %add3A_531 : i32
        %sub3A_533 = arith.constant 1 : i32
        %sub3A_534 = arith.subi %add3A_532, %sub3A_533 : i32
        %jit3A_535 = arith.constant 6 : i32
        %eq3A_536 = arith.constant 0 : i32
        %eq3A_537 = arith.cmpi eq, %jit3A_535, %eq3A_536 : i32
        %jit3A_538 = arith.constant 1 : i32
        %select_n3A_539 = arith.select %eq3A_537, %jit3A_538, %jit3A_535 : i32
        %rem3A_540 = arith.remsi %sub3A_534, %select_n3A_539 : i32
        %ne3A_541 = arith.constant 0 : i32
        %ne3A_542 = arith.cmpi ne, %rem3A_540, %ne3A_541 : i32
        %lt3A_543 = arith.constant 0 : i32
        %lt3A_544 = arith.cmpi slt, %rem3A_540, %lt3A_543 : i32
        %lt3A_545 = arith.constant 0 : i32
        %lt3A_546 = arith.cmpi slt, %select_n3A_539, %lt3A_545 : i32
        %ne3A_547 = arith.xori %lt3A_544, %lt3A_546 : i1
        %and3A_548 = arith.andi %ne3A_547, %ne3A_542 : i1
        %add3A_549 = arith.addi %rem3A_540, %select_n3A_539 : i32
        %select_n3A_550 = arith.select %and3A_548, %add3A_549, %rem3A_540 : i32
        %mul3A_551 = arith.constant 4096 : i32
        %mul3A_552 = arith.muli %select_n3A_550, %mul3A_551 : i32
        %dma_start3A_553 = tpu.memref_slice %arg12[%mul3A_552] : memref<24576xi32, #tpu.memory_space<vmem_shared>> -> memref<4096xi32, #tpu.memory_space<vmem_shared>>
        %dma_start3A_554 = tpu.memref_slice %arg12[%mul3A_552] : memref<24576xi32, #tpu.memory_space<vmem_shared>> -> memref<4096xi32, #tpu.memory_space<vmem_shared>>
        tpu.enqueue_dma source(%dma_start3A_554 : memref<4096xi32, #tpu.memory_space<vmem_shared>>) target(%arg6 : memref<4096xi32, #tpu.memory_space<vmem>>) target_semaphore(%arg13 : memref<!tpu.dma_semaphore, #tpu.memory_space<semaphore_mem>>)
      } else {
      }
      %jit3A_419 = arith.constant 6 : i32
      %eq3A_420 = arith.constant 0 : i32
      %eq3A_421 = arith.cmpi eq, %jit3A_419, %eq3A_420 : i32
      %jit3A_422 = arith.constant 1 : i32
      %select_n3A_423 = arith.select %eq3A_421, %jit3A_422, %jit3A_419 : i32
      %rem3A_424 = arith.remsi %add3A_384, %select_n3A_423 : i32
      %ne3A_425 = arith.constant 0 : i32
      %ne3A_426 = arith.cmpi ne, %rem3A_424, %ne3A_425 : i32
      %lt3A_427 = arith.constant 0 : i32
      %lt3A_428 = arith.cmpi slt, %rem3A_424, %lt3A_427 : i32
      %lt3A_429 = arith.constant 0 : i32
      %lt3A_430 = arith.cmpi slt, %select_n3A_423, %lt3A_429 : i32
      %ne3A_431 = arith.xori %lt3A_428, %lt3A_430 : i1
      %and3A_432 = arith.andi %ne3A_431, %ne3A_426 : i1
      %add3A_433 = arith.addi %rem3A_424, %select_n3A_423 : i32
      %select_n3A_434 = arith.select %and3A_432, %add3A_433, %rem3A_424 : i32
      %mul3A_435 = arith.constant 4096 : i32
      %mul3A_436 = arith.muli %select_n3A_434, %mul3A_435 : i32
      %dma_wait3A_437 = tpu.memref_slice %arg12[%mul3A_436] : memref<24576xi32, #tpu.memory_space<vmem_shared>> -> memref<4096xi32, #tpu.memory_space<vmem_shared>>
      %dma_wait3A_438 = tpu.memref_slice %arg12[%mul3A_436] : memref<24576xi32, #tpu.memory_space<vmem_shared>> -> memref<4096xi32, #tpu.memory_space<vmem_shared>>
      tpu.wait_dma2 semaphore(%arg14 : memref<!tpu.dma_semaphore, #tpu.memory_space<semaphore_mem>>) src(%dma_wait3A_438 : memref<4096xi32, #tpu.memory_space<vmem_shared>>) dst(%arg7 : memref<4096xi32, #tpu.memory_space<vmem>>)
      %sub3A_439 = arith.constant 3 : i32
      %sub3A_440 = arith.subi %add3A_384, %sub3A_439 : i32
      %dma_wait3A_441 = arith.constant 0 : i32
      %dma_wait3A_442 = tpu.memref_slice %arg4[%sub3A_440, %add3A, %dma_wait3A_441] : memref<200x32x4096xf32, #tpu.memory_space<hbm>> -> memref<1x1x4096xf32, #tpu.memory_space<hbm>>
      %dma_wait3A_443 = tpu.memref_squeeze %dma_wait3A_442 : memref<1x1x4096xf32, #tpu.memory_space<hbm>> -> memref<4096xf32, #tpu.memory_space<hbm>>
      %dma_wait3A_444 = arith.constant 0 : i32
      %dma_wait3A_445 = tpu.memref_slice %arg4[%sub3A_440, %add3A, %dma_wait3A_444] : memref<200x32x4096xf32, #tpu.memory_space<hbm>> -> memref<1x1x4096xf32, #tpu.memory_space<hbm>>
      %dma_wait3A_446 = tpu.memref_squeeze %dma_wait3A_445 : memref<1x1x4096xf32, #tpu.memory_space<hbm>> -> memref<4096xf32, #tpu.memory_space<hbm>>
      tpu.wait_dma2 semaphore(%arg17 : memref<!tpu.dma_semaphore, #tpu.memory_space<semaphore_mem>>) src(%arg10 : memref<4096xf32, #tpu.memory_space<vmem>>) dst(%dma_wait3A_446 : memref<4096xf32, #tpu.memory_space<hbm>>)
      %parallel_loop3A_447 = arith.constant 0 : i32
      %parallel_loop3A_448 = arith.constant 256 : i32
      %parallel_loop3A_449 = arith.constant 1 : i32
      scf.for %parallel_loop3A_531 = %parallel_loop3A_447 to %parallel_loop3A_448 step %parallel_loop3A_449  : i32 {
        %parallel_loop3A_532 = arith.constant 16 : i32
        %parallel_loop3A_533 = arith.muli %parallel_loop3A_531, %parallel_loop3A_532 : i32
        %parallel_loop3A_534 = arith.index_cast %parallel_loop3A_533 : i32 to index
        %parallel_loop3A_535 = tpu.vector_load %arg7[%parallel_loop3A_534] {strides = array<i32>} : memref<4096xi32, #tpu.memory_space<vmem>>, vector<16xi32>,
        %parallel_loop3A_536 = tpu.vector_load_idx %arg5[%parallel_loop3A_535] : memref<100000xf32, #tpu.memory_space<vmem>>[vector<16xi32>], vector<16xf32>,
        %parallel_loop3A_537 = arith.constant 16 : i32
        %parallel_loop3A_538 = arith.muli %parallel_loop3A_531, %parallel_loop3A_537 : i32
        %parallel_loop3A_539 = arith.index_cast %parallel_loop3A_538 : i32 to index
        %parallel_loop3A_540 = tpu.vector_load %arg10[%parallel_loop3A_539] {strides = array<i32>} : memref<4096xf32, #tpu.memory_space<vmem>>, vector<16xf32>,
        tpu.vector_store %arg10[%parallel_loop3A_539], %parallel_loop3A_536 {strides = array<i32>} : memref<4096xf32, #tpu.memory_space<vmem>>, vector<16xf32>,
      } {sc.loop_unroll_factor = 16 : i64, sc.parallel_access}
      %dma_start3A_450 = arith.constant 0 : i32
      %dma_start3A_451 = tpu.memref_slice %arg4[%add3A_384, %add3A, %dma_start3A_450] : memref<200x32x4096xf32, #tpu.memory_space<hbm>> -> memref<1x1x4096xf32, #tpu.memory_space<hbm>>
      %dma_start3A_452 = tpu.memref_squeeze %dma_start3A_451 : memref<1x1x4096xf32, #tpu.memory_space<hbm>> -> memref<4096xf32, #tpu.memory_space<hbm>>
      %dma_start3A_453 = arith.constant 0 : i32
      %dma_start3A_454 = tpu.memref_slice %arg4[%add3A_384, %add3A, %dma_start3A_453] : memref<200x32x4096xf32, #tpu.memory_space<hbm>> -> memref<1x1x4096xf32, #tpu.memory_space<hbm>>
      %dma_start3A_455 = tpu.memref_squeeze %dma_start3A_454 : memref<1x1x4096xf32, #tpu.memory_space<hbm>> -> memref<4096xf32, #tpu.memory_space<hbm>>
      tpu.enqueue_dma source(%arg10 : memref<4096xf32, #tpu.memory_space<vmem>>) target(%dma_start3A_455 : memref<4096xf32, #tpu.memory_space<hbm>>) target_semaphore(%arg17 : memref<!tpu.dma_semaphore, #tpu.memory_space<semaphore_mem>>)
      %mul3A_456 = arith.constant 6 : i32
      %mul3A_457 = arith.muli %mul3A_456, %scan3A_96 : i32
      %add3A_458 = arith.constant 5 : i32
      %add3A_459 = arith.addi %mul3A_457, %add3A_458 : i32
      %eq3A_460 = arith.constant 0 : i32
      %eq3A_461 = arith.cmpi eq, %arg1, %eq3A_460 : i32
      %add3A_462 = arith.constant 3 : i32
      %add3A_463 = arith.addi %add3A_459, %add3A_462 : i32
      %sub3A_464 = arith.constant 1 : i32
      %sub3A_465 = arith.subi %add3A_463, %sub3A_464 : i32
      %lt3A_466 = arith.constant 200 : i32
      %lt3A_467 = arith.cmpi slt, %sub3A_465, %lt3A_466 : i32
      %and3A_468 = arith.andi %eq3A_461, %lt3A_467 : i1
      %convert_element_type3A_469 = arith.extui %and3A_468 : i1 to i32
      %cond3A_470 = arith.constant 0 : i32
      %cond3A_471 = arith.cmpi ne, %convert_element_type3A_469, %cond3A_470 : i32
      scf.if %cond3A_471 {
        %add3A_531 = arith.constant 3 : i32
        %add3A_532 = arith.addi %add3A_459, %add3A_531 : i32
        %sub3A_533 = arith.constant 1 : i32
        %sub3A_534 = arith.subi %add3A_532, %sub3A_533 : i32
        %jit3A_535 = arith.constant 6 : i32
        %eq3A_536 = arith.constant 0 : i32
        %eq3A_537 = arith.cmpi eq, %jit3A_535, %eq3A_536 : i32
        %jit3A_538 = arith.constant 1 : i32
        %select_n3A_539 = arith.select %eq3A_537, %jit3A_538, %jit3A_535 : i32
        %rem3A_540 = arith.remsi %sub3A_534, %select_n3A_539 : i32
        %ne3A_541 = arith.constant 0 : i32
        %ne3A_542 = arith.cmpi ne, %rem3A_540, %ne3A_541 : i32
        %lt3A_543 = arith.constant 0 : i32
        %lt3A_544 = arith.cmpi slt, %rem3A_540, %lt3A_543 : i32
        %lt3A_545 = arith.constant 0 : i32
        %lt3A_546 = arith.cmpi slt, %select_n3A_539, %lt3A_545 : i32
        %ne3A_547 = arith.xori %lt3A_544, %lt3A_546 : i1
        %and3A_548 = arith.andi %ne3A_547, %ne3A_542 : i1
        %add3A_549 = arith.addi %rem3A_540, %select_n3A_539 : i32
        %select_n3A_550 = arith.select %and3A_548, %add3A_549, %rem3A_540 : i32
        %mul3A_551 = arith.constant 4096 : i32
        %mul3A_552 = arith.muli %select_n3A_550, %mul3A_551 : i32
        %dma_wait3A_553 = tpu.memref_slice %arg12[%mul3A_552] : memref<24576xi32, #tpu.memory_space<vmem_shared>> -> memref<4096xi32, #tpu.memory_space<vmem_shared>>
        %dma_wait3A_554 = arith.constant 0 : i32
        %dma_wait3A_555 = tpu.memref_slice %arg3[%sub3A_534, %dma_wait3A_554] : memref<200x4096xi32, #tpu.memory_space<hbm>> -> memref<1x4096xi32, #tpu.memory_space<hbm>>
        %dma_wait3A_556 = tpu.memref_squeeze %dma_wait3A_555 : memref<1x4096xi32, #tpu.memory_space<hbm>> -> memref<4096xi32, #tpu.memory_space<hbm>>
        tpu.wait_dma2 semaphore(%arg19 : memref<!tpu.dma_semaphore, #tpu.memory_space<semaphore_mem>>) src(%dma_wait3A_556 : memref<4096xi32, #tpu.memory_space<hbm>>) dst(%dma_wait3A_553 : memref<4096xi32, #tpu.memory_space<vmem_shared>>)
      } else {
      }
      %barrier3A_472 = arith.constant 0 : index
      tpu.barrier barrier_id(%barrier3A_472)
      %eq3A_473 = arith.constant 0 : i32
      %eq3A_474 = arith.cmpi eq, %arg1, %eq3A_473 : i32
      %add3A_475 = arith.constant 6 : i32
      %add3A_476 = arith.addi %add3A_459, %add3A_475 : i32
      %sub3A_477 = arith.constant 1 : i32
      %sub3A_478 = arith.subi %add3A_476, %sub3A_477 : i32
      %lt3A_479 = arith.constant 200 : i32
      %lt3A_480 = arith.cmpi slt, %sub3A_478, %lt3A_479 : i32
      %and3A_481 = arith.andi %eq3A_474, %lt3A_480 : i1
      %convert_element_type3A_482 = arith.extui %and3A_481 : i1 to i32
      %cond3A_483 = arith.constant 0 : i32
      %cond3A_484 = arith.cmpi ne, %convert_element_type3A_482, %cond3A_483 : i32
      scf.if %cond3A_484 {
        %add3A_531 = arith.constant 6 : i32
        %add3A_532 = arith.addi %add3A_459, %add3A_531 : i32
        %sub3A_533 = arith.constant 1 : i32
        %sub3A_534 = arith.subi %add3A_532, %sub3A_533 : i32
        %jit3A_535 = arith.constant 6 : i32
        %eq3A_536 = arith.constant 0 : i32
        %eq3A_537 = arith.cmpi eq, %jit3A_535, %eq3A_536 : i32
        %jit3A_538 = arith.constant 1 : i32
        %select_n3A_539 = arith.select %eq3A_537, %jit3A_538, %jit3A_535 : i32
        %rem3A_540 = arith.remsi %sub3A_534, %select_n3A_539 : i32
        %ne3A_541 = arith.constant 0 : i32
        %ne3A_542 = arith.cmpi ne, %rem3A_540, %ne3A_541 : i32
        %lt3A_543 = arith.constant 0 : i32
        %lt3A_544 = arith.cmpi slt, %rem3A_540, %lt3A_543 : i32
        %lt3A_545 = arith.constant 0 : i32
        %lt3A_546 = arith.cmpi slt, %select_n3A_539, %lt3A_545 : i32
        %ne3A_547 = arith.xori %lt3A_544, %lt3A_546 : i1
        %and3A_548 = arith.andi %ne3A_547, %ne3A_542 : i1
        %add3A_549 = arith.addi %rem3A_540, %select_n3A_539 : i32
        %select_n3A_550 = arith.select %and3A_548, %add3A_549, %rem3A_540 : i32
        %mul3A_551 = arith.constant 4096 : i32
        %mul3A_552 = arith.muli %select_n3A_550, %mul3A_551 : i32
        %dma_start3A_553 = tpu.memref_slice %arg12[%mul3A_552] : memref<24576xi32, #tpu.memory_space<vmem_shared>> -> memref<4096xi32, #tpu.memory_space<vmem_shared>>
        %dma_start3A_554 = arith.constant 0 : i32
        %dma_start3A_555 = tpu.memref_slice %arg3[%sub3A_534, %dma_start3A_554] : memref<200x4096xi32, #tpu.memory_space<hbm>> -> memref<1x4096xi32, #tpu.memory_space<hbm>>
        %dma_start3A_556 = tpu.memref_squeeze %dma_start3A_555 : memref<1x4096xi32, #tpu.memory_space<hbm>> -> memref<4096xi32, #tpu.memory_space<hbm>>
        tpu.enqueue_dma source(%dma_start3A_556 : memref<4096xi32, #tpu.memory_space<hbm>>) target(%dma_start3A_553 : memref<4096xi32, #tpu.memory_space<vmem_shared>>) target_semaphore(%arg19 : memref<!tpu.dma_semaphore, #tpu.memory_space<semaphore_mem>>)
      } else {
      }
      %add3A_485 = arith.constant 3 : i32
      %add3A_486 = arith.addi %add3A_459, %add3A_485 : i32
      %sub3A_487 = arith.constant 1 : i32
      %sub3A_488 = arith.subi %add3A_486, %sub3A_487 : i32
      %lt3A_489 = arith.constant 200 : i32
      %lt3A_490 = arith.cmpi slt, %sub3A_488, %lt3A_489 : i32
      %convert_element_type3A_491 = arith.extui %lt3A_490 : i1 to i32
      %cond3A_492 = arith.constant 0 : i32
      %cond3A_493 = arith.cmpi ne, %convert_element_type3A_491, %cond3A_492 : i32
      scf.if %cond3A_493 {
        %add3A_531 = arith.constant 3 : i32
        %add3A_532 = arith.addi %add3A_459, %add3A_531 : i32
        %sub3A_533 = arith.constant 1 : i32
        %sub3A_534 = arith.subi %add3A_532, %sub3A_533 : i32
        %jit3A_535 = arith.constant 6 : i32
        %eq3A_536 = arith.constant 0 : i32
        %eq3A_537 = arith.cmpi eq, %jit3A_535, %eq3A_536 : i32
        %jit3A_538 = arith.constant 1 : i32
        %select_n3A_539 = arith.select %eq3A_537, %jit3A_538, %jit3A_535 : i32
        %rem3A_540 = arith.remsi %sub3A_534, %select_n3A_539 : i32
        %ne3A_541 = arith.constant 0 : i32
        %ne3A_542 = arith.cmpi ne, %rem3A_540, %ne3A_541 : i32
        %lt3A_543 = arith.constant 0 : i32
        %lt3A_544 = arith.cmpi slt, %rem3A_540, %lt3A_543 : i32
        %lt3A_545 = arith.constant 0 : i32
        %lt3A_546 = arith.cmpi slt, %select_n3A_539, %lt3A_545 : i32
        %ne3A_547 = arith.xori %lt3A_544, %lt3A_546 : i1
        %and3A_548 = arith.andi %ne3A_547, %ne3A_542 : i1
        %add3A_549 = arith.addi %rem3A_540, %select_n3A_539 : i32
        %select_n3A_550 = arith.select %and3A_548, %add3A_549, %rem3A_540 : i32
        %mul3A_551 = arith.constant 4096 : i32
        %mul3A_552 = arith.muli %select_n3A_550, %mul3A_551 : i32
        %dma_start3A_553 = tpu.memref_slice %arg12[%mul3A_552] : memref<24576xi32, #tpu.memory_space<vmem_shared>> -> memref<4096xi32, #tpu.memory_space<vmem_shared>>
        %dma_start3A_554 = tpu.memref_slice %arg12[%mul3A_552] : memref<24576xi32, #tpu.memory_space<vmem_shared>> -> memref<4096xi32, #tpu.memory_space<vmem_shared>>
        tpu.enqueue_dma source(%dma_start3A_554 : memref<4096xi32, #tpu.memory_space<vmem_shared>>) target(%arg7 : memref<4096xi32, #tpu.memory_space<vmem>>) target_semaphore(%arg14 : memref<!tpu.dma_semaphore, #tpu.memory_space<semaphore_mem>>)
      } else {
      }
      %jit3A_494 = arith.constant 6 : i32
      %eq3A_495 = arith.constant 0 : i32
      %eq3A_496 = arith.cmpi eq, %jit3A_494, %eq3A_495 : i32
      %jit3A_497 = arith.constant 1 : i32
      %select_n3A_498 = arith.select %eq3A_496, %jit3A_497, %jit3A_494 : i32
      %rem3A_499 = arith.remsi %add3A_459, %select_n3A_498 : i32
      %ne3A_500 = arith.constant 0 : i32
      %ne3A_501 = arith.cmpi ne, %rem3A_499, %ne3A_500 : i32
      %lt3A_502 = arith.constant 0 : i32
      %lt3A_503 = arith.cmpi slt, %rem3A_499, %lt3A_502 : i32
      %lt3A_504 = arith.constant 0 : i32
      %lt3A_505 = arith.cmpi slt, %select_n3A_498, %lt3A_504 : i32
      %ne3A_506 = arith.xori %lt3A_503, %lt3A_505 : i1
      %and3A_507 = arith.andi %ne3A_506, %ne3A_501 : i1
      %add3A_508 = arith.addi %rem3A_499, %select_n3A_498 : i32
      %select_n3A_509 = arith.select %and3A_507, %add3A_508, %rem3A_499 : i32
      %mul3A_510 = arith.constant 4096 : i32
      %mul3A_511 = arith.muli %select_n3A_509, %mul3A_510 : i32
      %dma_wait3A_512 = tpu.memref_slice %arg12[%mul3A_511] : memref<24576xi32, #tpu.memory_space<vmem_shared>> -> memref<4096xi32, #tpu.memory_space<vmem_shared>>
      %dma_wait3A_513 = tpu.memref_slice %arg12[%mul3A_511] : memref<24576xi32, #tpu.memory_space<vmem_shared>> -> memref<4096xi32, #tpu.memory_space<vmem_shared>>
      tpu.wait_dma2 semaphore(%arg15 : memref<!tpu.dma_semaphore, #tpu.memory_space<semaphore_mem>>) src(%dma_wait3A_513 : memref<4096xi32, #tpu.memory_space<vmem_shared>>) dst(%arg8 : memref<4096xi32, #tpu.memory_space<vmem>>)
      %sub3A_514 = arith.constant 3 : i32
      %sub3A_515 = arith.subi %add3A_459, %sub3A_514 : i32
      %dma_wait3A_516 = arith.constant 0 : i32
      %dma_wait3A_517 = tpu.memref_slice %arg4[%sub3A_515, %add3A, %dma_wait3A_516] : memref<200x32x4096xf32, #tpu.memory_space<hbm>> -> memref<1x1x4096xf32, #tpu.memory_space<hbm>>
      %dma_wait3A_518 = tpu.memref_squeeze %dma_wait3A_517 : memref<1x1x4096xf32, #tpu.memory_space<hbm>> -> memref<4096xf32, #tpu.memory_space<hbm>>
      %dma_wait3A_519 = arith.constant 0 : i32
      %dma_wait3A_520 = tpu.memref_slice %arg4[%sub3A_515, %add3A, %dma_wait3A_519] : memref<200x32x4096xf32, #tpu.memory_space<hbm>> -> memref<1x1x4096xf32, #tpu.memory_space<hbm>>
      %dma_wait3A_521 = tpu.memref_squeeze %dma_wait3A_520 : memref<1x1x4096xf32, #tpu.memory_space<hbm>> -> memref<4096xf32, #tpu.memory_space<hbm>>
      tpu.wait_dma2 semaphore(%arg18 : memref<!tpu.dma_semaphore, #tpu.memory_space<semaphore_mem>>) src(%arg11 : memref<4096xf32, #tpu.memory_space<vmem>>) dst(%dma_wait3A_521 : memref<4096xf32, #tpu.memory_space<hbm>>)
      %parallel_loop3A_522 = arith.constant 0 : i32
      %parallel_loop3A_523 = arith.constant 256 : i32
      %parallel_loop3A_524 = arith.constant 1 : i32
      scf.for %parallel_loop3A_531 = %parallel_loop3A_522 to %parallel_loop3A_523 step %parallel_loop3A_524  : i32 {
        %parallel_loop3A_532 = arith.constant 16 : i32
        %parallel_loop3A_533 = arith.muli %parallel_loop3A_531, %parallel_loop3A_532 : i32
        %parallel_loop3A_534 = arith.index_cast %parallel_loop3A_533 : i32 to index
        %parallel_loop3A_535 = tpu.vector_load %arg8[%parallel_loop3A_534] {strides = array<i32>} : memref<4096xi32, #tpu.memory_space<vmem>>, vector<16xi32>,
        %parallel_loop3A_536 = tpu.vector_load_idx %arg5[%parallel_loop3A_535] : memref<100000xf32, #tpu.memory_space<vmem>>[vector<16xi32>], vector<16xf32>,
        %parallel_loop3A_537 = arith.constant 16 : i32
        %parallel_loop3A_538 = arith.muli %parallel_loop3A_531, %parallel_loop3A_537 : i32
        %parallel_loop3A_539 = arith.index_cast %parallel_loop3A_538 : i32 to index
        %parallel_loop3A_540 = tpu.vector_load %arg11[%parallel_loop3A_539] {strides = array<i32>} : memref<4096xf32, #tpu.memory_space<vmem>>, vector<16xf32>,
        tpu.vector_store %arg11[%parallel_loop3A_539], %parallel_loop3A_536 {strides = array<i32>} : memref<4096xf32, #tpu.memory_space<vmem>>, vector<16xf32>,
      } {sc.loop_unroll_factor = 16 : i64, sc.parallel_access}
      %dma_start3A_525 = arith.constant 0 : i32
      %dma_start3A_526 = tpu.memref_slice %arg4[%add3A_459, %add3A, %dma_start3A_525] : memref<200x32x4096xf32, #tpu.memory_space<hbm>> -> memref<1x1x4096xf32, #tpu.memory_space<hbm>>
      %dma_start3A_527 = tpu.memref_squeeze %dma_start3A_526 : memref<1x1x4096xf32, #tpu.memory_space<hbm>> -> memref<4096xf32, #tpu.memory_space<hbm>>
      %dma_start3A_528 = arith.constant 0 : i32
      %dma_start3A_529 = tpu.memref_slice %arg4[%add3A_459, %add3A, %dma_start3A_528] : memref<200x32x4096xf32, #tpu.memory_space<hbm>> -> memref<1x1x4096xf32, #tpu.memory_space<hbm>>
      %dma_start3A_530 = tpu.memref_squeeze %dma_start3A_529 : memref<1x1x4096xf32, #tpu.memory_space<hbm>> -> memref<4096xf32, #tpu.memory_space<hbm>>
      tpu.enqueue_dma source(%arg11 : memref<4096xf32, #tpu.memory_space<vmem>>) target(%dma_start3A_530 : memref<4096xf32, #tpu.memory_space<hbm>>) target_semaphore(%arg18 : memref<!tpu.dma_semaphore, #tpu.memory_space<semaphore_mem>>)
    }
    %scan3A_19 = arith.constant 33 : i32
    %eq3A_20 = arith.constant 0 : i32
    %eq3A_21 = arith.cmpi eq, %arg1, %eq3A_20 : i32
    %and3A = arith.constant false
    %and3A_22 = arith.andi %eq3A_21, %and3A : i1
    %convert_element_type3A_23 = arith.extui %and3A_22 : i1 to i32
    %cond3A_24 = arith.constant 0 : i32
    %cond3A_25 = arith.cmpi ne, %convert_element_type3A_23, %cond3A_24 : i32
    scf.if %cond3A_25 {
      %dma_wait3A_96 = arith.constant 200 : i32
      %dma_wait3A_97 = arith.constant 8192 : i32
      %dma_wait3A_98 = tpu.memref_slice %arg12[%dma_wait3A_97] : memref<24576xi32, #tpu.memory_space<vmem_shared>> -> memref<4096xi32, #tpu.memory_space<vmem_shared>>
      %dma_wait3A_99 = arith.constant 0 : i32
      %dma_wait3A_100 = tpu.memref_slice %arg3[%dma_wait3A_96, %dma_wait3A_99] : memref<200x4096xi32, #tpu.memory_space<hbm>> -> memref<1x4096xi32, #tpu.memory_space<hbm>>
      %dma_wait3A_101 = tpu.memref_squeeze %dma_wait3A_100 : memref<1x4096xi32, #tpu.memory_space<hbm>> -> memref<4096xi32, #tpu.memory_space<hbm>>
      tpu.wait_dma2 semaphore(%arg19 : memref<!tpu.dma_semaphore, #tpu.memory_space<semaphore_mem>>) src(%dma_wait3A_101 : memref<4096xi32, #tpu.memory_space<hbm>>) dst(%dma_wait3A_98 : memref<4096xi32, #tpu.memory_space<vmem_shared>>)
    } else {
    }
    %barrier3A_26 = arith.constant 0 : index
    tpu.barrier barrier_id(%barrier3A_26)
    %dma_wait3A = arith.constant 0 : i32
    %dma_wait3A_27 = tpu.memref_slice %arg12[%dma_wait3A] : memref<24576xi32, #tpu.memory_space<vmem_shared>> -> memref<4096xi32, #tpu.memory_space<vmem_shared>>
    %dma_wait3A_28 = arith.constant 0 : i32
    %dma_wait3A_29 = tpu.memref_slice %arg12[%dma_wait3A_28] : memref<24576xi32, #tpu.memory_space<vmem_shared>> -> memref<4096xi32, #tpu.memory_space<vmem_shared>>
    tpu.wait_dma2 semaphore(%arg13 : memref<!tpu.dma_semaphore, #tpu.memory_space<semaphore_mem>>) src(%dma_wait3A_29 : memref<4096xi32, #tpu.memory_space<vmem_shared>>) dst(%arg6 : memref<4096xi32, #tpu.memory_space<vmem>>)
    %dma_wait3A_30 = arith.constant 195 : i32
    %dma_wait3A_31 = arith.constant 0 : i32
    %dma_wait3A_32 = tpu.memref_slice %arg4[%dma_wait3A_30, %add3A, %dma_wait3A_31] : memref<200x32x4096xf32, #tpu.memory_space<hbm>> -> memref<1x1x4096xf32, #tpu.memory_space<hbm>>
    %dma_wait3A_33 = tpu.memref_squeeze %dma_wait3A_32 : memref<1x1x4096xf32, #tpu.memory_space<hbm>> -> memref<4096xf32, #tpu.memory_space<hbm>>
    %dma_wait3A_34 = arith.constant 0 : i32
    %dma_wait3A_35 = tpu.memref_slice %arg4[%dma_wait3A_30, %add3A, %dma_wait3A_34] : memref<200x32x4096xf32, #tpu.memory_space<hbm>> -> memref<1x1x4096xf32, #tpu.memory_space<hbm>>
    %dma_wait3A_36 = tpu.memref_squeeze %dma_wait3A_35 : memref<1x1x4096xf32, #tpu.memory_space<hbm>> -> memref<4096xf32, #tpu.memory_space<hbm>>
    tpu.wait_dma2 semaphore(%arg16 : memref<!tpu.dma_semaphore, #tpu.memory_space<semaphore_mem>>) src(%arg9 : memref<4096xf32, #tpu.memory_space<vmem>>) dst(%dma_wait3A_36 : memref<4096xf32, #tpu.memory_space<hbm>>)
    %parallel_loop3A = arith.constant 0 : i32
    %parallel_loop3A_37 = arith.constant 256 : i32
    %parallel_loop3A_38 = arith.constant 1 : i32
    scf.for %parallel_loop3A_96 = %parallel_loop3A to %parallel_loop3A_37 step %parallel_loop3A_38  : i32 {
      %parallel_loop3A_97 = arith.constant 16 : i32
      %parallel_loop3A_98 = arith.muli %parallel_loop3A_96, %parallel_loop3A_97 : i32
      %parallel_loop3A_99 = arith.index_cast %parallel_loop3A_98 : i32 to index
      %parallel_loop3A_100 = tpu.vector_load %arg6[%parallel_loop3A_99] {strides = array<i32>} : memref<4096xi32, #tpu.memory_space<vmem>>, vector<16xi32>,
      %parallel_loop3A_101 = tpu.vector_load_idx %arg5[%parallel_loop3A_100] : memref<100000xf32, #tpu.memory_space<vmem>>[vector<16xi32>], vector<16xf32>,
      %parallel_loop3A_102 = arith.constant 16 : i32
      %parallel_loop3A_103 = arith.muli %parallel_loop3A_96, %parallel_loop3A_102 : i32
      %parallel_loop3A_104 = arith.index_cast %parallel_loop3A_103 : i32 to index
      %parallel_loop3A_105 = tpu.vector_load %arg9[%parallel_loop3A_104] {strides = array<i32>} : memref<4096xf32, #tpu.memory_space<vmem>>, vector<16xf32>,
      tpu.vector_store %arg9[%parallel_loop3A_104], %parallel_loop3A_101 {strides = array<i32>} : memref<4096xf32, #tpu.memory_space<vmem>>, vector<16xf32>,
    } {sc.loop_unroll_factor = 16 : i64, sc.parallel_access}
    %dma_start3A_39 = arith.constant 198 : i32
    %dma_start3A_40 = arith.constant 0 : i32
    %dma_start3A_41 = tpu.memref_slice %arg4[%dma_start3A_39, %add3A, %dma_start3A_40] : memref<200x32x4096xf32, #tpu.memory_space<hbm>> -> memref<1x1x4096xf32, #tpu.memory_space<hbm>>
    %dma_start3A_42 = tpu.memref_squeeze %dma_start3A_41 : memref<1x1x4096xf32, #tpu.memory_space<hbm>> -> memref<4096xf32, #tpu.memory_space<hbm>>
    %dma_start3A_43 = arith.constant 0 : i32
    %dma_start3A_44 = tpu.memref_slice %arg4[%dma_start3A_39, %add3A, %dma_start3A_43] : memref<200x32x4096xf32, #tpu.memory_space<hbm>> -> memref<1x1x4096xf32, #tpu.memory_space<hbm>>
    %dma_start3A_45 = tpu.memref_squeeze %dma_start3A_44 : memref<1x1x4096xf32, #tpu.memory_space<hbm>> -> memref<4096xf32, #tpu.memory_space<hbm>>
    tpu.enqueue_dma source(%arg9 : memref<4096xf32, #tpu.memory_space<vmem>>) target(%dma_start3A_45 : memref<4096xf32, #tpu.memory_space<hbm>>) target_semaphore(%arg16 : memref<!tpu.dma_semaphore, #tpu.memory_space<semaphore_mem>>)
    %eq3A_46 = arith.constant 0 : i32
    %eq3A_47 = arith.cmpi eq, %arg1, %eq3A_46 : i32
    %and3A_48 = arith.constant false
    %and3A_49 = arith.andi %eq3A_47, %and3A_48 : i1
    %convert_element_type3A_50 = arith.extui %and3A_49 : i1 to i32
    %cond3A_51 = arith.constant 0 : i32
    %cond3A_52 = arith.cmpi ne, %convert_element_type3A_50, %cond3A_51 : i32
    scf.if %cond3A_52 {
      %dma_wait3A_96 = arith.constant 201 : i32
      %dma_wait3A_97 = arith.constant 12288 : i32
      %dma_wait3A_98 = tpu.memref_slice %arg12[%dma_wait3A_97] : memref<24576xi32, #tpu.memory_space<vmem_shared>> -> memref<4096xi32, #tpu.memory_space<vmem_shared>>
      %dma_wait3A_99 = arith.constant 0 : i32
      %dma_wait3A_100 = tpu.memref_slice %arg3[%dma_wait3A_96, %dma_wait3A_99] : memref<200x4096xi32, #tpu.memory_space<hbm>> -> memref<1x4096xi32, #tpu.memory_space<hbm>>
      %dma_wait3A_101 = tpu.memref_squeeze %dma_wait3A_100 : memref<1x4096xi32, #tpu.memory_space<hbm>> -> memref<4096xi32, #tpu.memory_space<hbm>>
      tpu.wait_dma2 semaphore(%arg19 : memref<!tpu.dma_semaphore, #tpu.memory_space<semaphore_mem>>) src(%dma_wait3A_101 : memref<4096xi32, #tpu.memory_space<hbm>>) dst(%dma_wait3A_98 : memref<4096xi32, #tpu.memory_space<vmem_shared>>)
    } else {
    }
    %barrier3A_53 = arith.constant 0 : index
    tpu.barrier barrier_id(%barrier3A_53)
    %dma_wait3A_54 = arith.constant 4096 : i32
    %dma_wait3A_55 = tpu.memref_slice %arg12[%dma_wait3A_54] : memref<24576xi32, #tpu.memory_space<vmem_shared>> -> memref<4096xi32, #tpu.memory_space<vmem_shared>>
    %dma_wait3A_56 = arith.constant 4096 : i32
    %dma_wait3A_57 = tpu.memref_slice %arg12[%dma_wait3A_56] : memref<24576xi32, #tpu.memory_space<vmem_shared>> -> memref<4096xi32, #tpu.memory_space<vmem_shared>>
    tpu.wait_dma2 semaphore(%arg14 : memref<!tpu.dma_semaphore, #tpu.memory_space<semaphore_mem>>) src(%dma_wait3A_57 : memref<4096xi32, #tpu.memory_space<vmem_shared>>) dst(%arg7 : memref<4096xi32, #tpu.memory_space<vmem>>)
    %dma_wait3A_58 = arith.constant 196 : i32
    %dma_wait3A_59 = arith.constant 0 : i32
    %dma_wait3A_60 = tpu.memref_slice %arg4[%dma_wait3A_58, %add3A, %dma_wait3A_59] : memref<200x32x4096xf32, #tpu.memory_space<hbm>> -> memref<1x1x4096xf32, #tpu.memory_space<hbm>>
    %dma_wait3A_61 = tpu.memref_squeeze %dma_wait3A_60 : memref<1x1x4096xf32, #tpu.memory_space<hbm>> -> memref<4096xf32, #tpu.memory_space<hbm>>
    %dma_wait3A_62 = arith.constant 0 : i32
    %dma_wait3A_63 = tpu.memref_slice %arg4[%dma_wait3A_58, %add3A, %dma_wait3A_62] : memref<200x32x4096xf32, #tpu.memory_space<hbm>> -> memref<1x1x4096xf32, #tpu.memory_space<hbm>>
    %dma_wait3A_64 = tpu.memref_squeeze %dma_wait3A_63 : memref<1x1x4096xf32, #tpu.memory_space<hbm>> -> memref<4096xf32, #tpu.memory_space<hbm>>
    tpu.wait_dma2 semaphore(%arg17 : memref<!tpu.dma_semaphore, #tpu.memory_space<semaphore_mem>>) src(%arg10 : memref<4096xf32, #tpu.memory_space<vmem>>) dst(%dma_wait3A_64 : memref<4096xf32, #tpu.memory_space<hbm>>)
    %parallel_loop3A_65 = arith.constant 0 : i32
    %parallel_loop3A_66 = arith.constant 256 : i32
    %parallel_loop3A_67 = arith.constant 1 : i32
    scf.for %parallel_loop3A_96 = %parallel_loop3A_65 to %parallel_loop3A_66 step %parallel_loop3A_67  : i32 {
      %parallel_loop3A_97 = arith.constant 16 : i32
      %parallel_loop3A_98 = arith.muli %parallel_loop3A_96, %parallel_loop3A_97 : i32
      %parallel_loop3A_99 = arith.index_cast %parallel_loop3A_98 : i32 to index
      %parallel_loop3A_100 = tpu.vector_load %arg7[%parallel_loop3A_99] {strides = array<i32>} : memref<4096xi32, #tpu.memory_space<vmem>>, vector<16xi32>,
      %parallel_loop3A_101 = tpu.vector_load_idx %arg5[%parallel_loop3A_100] : memref<100000xf32, #tpu.memory_space<vmem>>[vector<16xi32>], vector<16xf32>,
      %parallel_loop3A_102 = arith.constant 16 : i32
      %parallel_loop3A_103 = arith.muli %parallel_loop3A_96, %parallel_loop3A_102 : i32
      %parallel_loop3A_104 = arith.index_cast %parallel_loop3A_103 : i32 to index
      %parallel_loop3A_105 = tpu.vector_load %arg10[%parallel_loop3A_104] {strides = array<i32>} : memref<4096xf32, #tpu.memory_space<vmem>>, vector<16xf32>,
      tpu.vector_store %arg10[%parallel_loop3A_104], %parallel_loop3A_101 {strides = array<i32>} : memref<4096xf32, #tpu.memory_space<vmem>>, vector<16xf32>,
    } {sc.loop_unroll_factor = 16 : i64, sc.parallel_access}
    %dma_start3A_68 = arith.constant 199 : i32
    %dma_start3A_69 = arith.constant 0 : i32
    %dma_start3A_70 = tpu.memref_slice %arg4[%dma_start3A_68, %add3A, %dma_start3A_69] : memref<200x32x4096xf32, #tpu.memory_space<hbm>> -> memref<1x1x4096xf32, #tpu.memory_space<hbm>>
    %dma_start3A_71 = tpu.memref_squeeze %dma_start3A_70 : memref<1x1x4096xf32, #tpu.memory_space<hbm>> -> memref<4096xf32, #tpu.memory_space<hbm>>
    %dma_start3A_72 = arith.constant 0 : i32
    %dma_start3A_73 = tpu.memref_slice %arg4[%dma_start3A_68, %add3A, %dma_start3A_72] : memref<200x32x4096xf32, #tpu.memory_space<hbm>> -> memref<1x1x4096xf32, #tpu.memory_space<hbm>>
    %dma_start3A_74 = tpu.memref_squeeze %dma_start3A_73 : memref<1x1x4096xf32, #tpu.memory_space<hbm>> -> memref<4096xf32, #tpu.memory_space<hbm>>
    tpu.enqueue_dma source(%arg10 : memref<4096xf32, #tpu.memory_space<vmem>>) target(%dma_start3A_74 : memref<4096xf32, #tpu.memory_space<hbm>>) target_semaphore(%arg17 : memref<!tpu.dma_semaphore, #tpu.memory_space<semaphore_mem>>)
    %dma_wait3A_75 = arith.constant 197 : i32
    %dma_wait3A_76 = arith.constant 0 : i32
    %dma_wait3A_77 = tpu.memref_slice %arg4[%dma_wait3A_75, %add3A, %dma_wait3A_76] : memref<200x32x4096xf32, #tpu.memory_space<hbm>> -> memref<1x1x4096xf32, #tpu.memory_space<hbm>>
    %dma_wait3A_78 = tpu.memref_squeeze %dma_wait3A_77 : memref<1x1x4096xf32, #tpu.memory_space<hbm>> -> memref<4096xf32, #tpu.memory_space<hbm>>
    %dma_wait3A_79 = arith.constant 0 : i32
    %dma_wait3A_80 = tpu.memref_slice %arg4[%dma_wait3A_75, %add3A, %dma_wait3A_79] : memref<200x32x4096xf32, #tpu.memory_space<hbm>> -> memref<1x1x4096xf32, #tpu.memory_space<hbm>>
    %dma_wait3A_81 = tpu.memref_squeeze %dma_wait3A_80 : memref<1x1x4096xf32, #tpu.memory_space<hbm>> -> memref<4096xf32, #tpu.memory_space<hbm>>
    tpu.wait_dma2 semaphore(%arg18 : memref<!tpu.dma_semaphore, #tpu.memory_space<semaphore_mem>>) src(%arg11 : memref<4096xf32, #tpu.memory_space<vmem>>) dst(%dma_wait3A_81 : memref<4096xf32, #tpu.memory_space<hbm>>)
    %dma_wait3A_82 = arith.constant 198 : i32
    %dma_wait3A_83 = arith.constant 0 : i32
    %dma_wait3A_84 = tpu.memref_slice %arg4[%dma_wait3A_82, %add3A, %dma_wait3A_83] : memref<200x32x4096xf32, #tpu.memory_space<hbm>> -> memref<1x1x4096xf32, #tpu.memory_space<hbm>>
    %dma_wait3A_85 = tpu.memref_squeeze %dma_wait3A_84 : memref<1x1x4096xf32, #tpu.memory_space<hbm>> -> memref<4096xf32, #tpu.memory_space<hbm>>
    %dma_wait3A_86 = arith.constant 0 : i32
    %dma_wait3A_87 = tpu.memref_slice %arg4[%dma_wait3A_82, %add3A, %dma_wait3A_86] : memref<200x32x4096xf32, #tpu.memory_space<hbm>> -> memref<1x1x4096xf32, #tpu.memory_space<hbm>>
    %dma_wait3A_88 = tpu.memref_squeeze %dma_wait3A_87 : memref<1x1x4096xf32, #tpu.memory_space<hbm>> -> memref<4096xf32, #tpu.memory_space<hbm>>
    tpu.wait_dma2 semaphore(%arg16 : memref<!tpu.dma_semaphore, #tpu.memory_space<semaphore_mem>>) src(%arg9 : memref<4096xf32, #tpu.memory_space<vmem>>) dst(%dma_wait3A_88 : memref<4096xf32, #tpu.memory_space<hbm>>)
    %dma_wait3A_89 = arith.constant 199 : i32
    %dma_wait3A_90 = arith.constant 0 : i32
    %dma_wait3A_91 = tpu.memref_slice %arg4[%dma_wait3A_89, %add3A, %dma_wait3A_90] : memref<200x32x4096xf32, #tpu.memory_space<hbm>> -> memref<1x1x4096xf32, #tpu.memory_space<hbm>>
    %dma_wait3A_92 = tpu.memref_squeeze %dma_wait3A_91 : memref<1x1x4096xf32, #tpu.memory_space<hbm>> -> memref<4096xf32, #tpu.memory_space<hbm>>
    %dma_wait3A_93 = arith.constant 0 : i32
    %dma_wait3A_94 = tpu.memref_slice %arg4[%dma_wait3A_89, %add3A, %dma_wait3A_93] : memref<200x32x4096xf32, #tpu.memory_space<hbm>> -> memref<1x1x4096xf32, #tpu.memory_space<hbm>>
    %dma_wait3A_95 = tpu.memref_squeeze %dma_wait3A_94 : memref<1x1x4096xf32, #tpu.memory_space<hbm>> -> memref<4096xf32, #tpu.memory_space<hbm>>
    tpu.wait_dma2 semaphore(%arg17 : memref<!tpu.dma_semaphore, #tpu.memory_space<semaphore_mem>>) src(%arg10 : memref<4096xf32, #tpu.memory_space<vmem>>) dst(%dma_wait3A_95 : memref<4096xf32, #tpu.memory_space<hbm>>)
    return
  }
}

</mosaic_0001>

<sc_bundles>
// kernel: kernel.3.cloned.1.call-start
scs
__scs_entry_jumppad:
0x0: {  	(pc) =	sbr.rel $0x88, $3  }
0x1: {  	(tag) =	ssettag $0x0;
	lr =	simm.s32 $0x1  }
0x2: {  	[smem:$0x3F9F] =	sst lr;
	_ =	strace $0xD0000000  }
0x3: {  	_ = 	snop  }
0x4: {  	_ = 	snop  }
0x5: {  	_ = 	snop  }
0x6: {  	_ = 	snop  }
0x7: {  	_ = 	snop  }
__scs_overlays_trampoline_lowered:
0x8: {  	[smem:$0x3FAE] =	sst s0  }
0x9: {  	[smem:$0x3FAF] =	sst s1  }
0xa: {  	[smem:$0x3FB0] =	sst s2  }
0xb: {  	[smem:$0x3FB1] =	sst s3  }
0xc: {  	[smem:$0x3FB2] =	sst s4  }
0xd: {  	[smem:$0x3FB3] =	sst s5  }
0xe: {  	[smem:$0x3FB4] =	sst s6  }
0xf: {  	[smem:$0x3FB5] =	sst s7  }
0x10: {  	[smem:$0x3FB6] =	sst s8  }
0x11: {  	[smem:$0x3FB7] =	sst s9;
	s0 =	simm.s32 @!p0 $0x0  }
0x12: {  	s1 =	sld [smem:$0x3F9D];
	s0 =	simm.s32 @p0 $0x1  }
0x13: {  	[smem:$0x3FB8] =	sst s0;
	s0 =	simm.s32 @!p1 $0x0  }
0x14: {  	s2 =	sld [smem:$0x3F9C];
	s0 =	simm.s32 @p1 $0x1  }
0x15: {  	[smem:$0x3FB9] =	sst s0;
	s0 =	simm.s32 @!p2 $0x0  }
0x16: {  	s3 =	sld [smem:$0x3FDB];
	s0 =	simm.s32 @p2 $0x1  }
0x17: {  	s4 =	simm.s32 $0x1BF5;
	[smem:$0x3FBB] =	sst s0  }
0x18: {  	s0 =	sld [smem:$0x3F9E];
	_ =	swait.ge [sflag:s4], $0x0  }
0x19: {  	s7 =	sld [smem:$0x3F9F]  }
0x1a: {  	s8 =	sadd.s32 $0xFFFFE003, lr  }
0x1b: {  	s9 =	sadd.s32 $0xFFFFFEF7, lr;
	s5 =	simm.s32 $0xFFFFFFFF;
	p2 =	slt.u32 s8, $0xFFFFF086  }
0x1c: {  	p1 =	slt.u32 s9, $0xF7A;
	s5 =	simm.s32 @!p2 $0x0  }
0x1d: {  	s5 =	simm.s32 @p1 $0x1;
	p0 =	seq.s32 s7, s2  }
0x1e: {  	s7 =	smul.u32 @!p0 $0xF7A, s2;
	p2 =	seq.s32 @!p0 s5, $0x0  }
0x1f: {  	s9 =	smul.u32 $0xF7A, s1;
	s8 =	simm.s32 @!p0 $0x1BF5;
	p2 =	por !p2, p0  }
0x20: {  	[sflag:s8] =	ssyncset.s32 @!p0 $0xFFFFF086;
	s6 =	sadd.s32 @!p0 s3, s7;
	s7 =	simm.s32 @!p0 $0x108  }
0x21: {  	s3 =	sadd.s32 s3, s9;
	s6 =	sadd.s32 @!p0 $0x88, s6;
	s7 =	simm.s32 @p2 $0x1082  }
0x22: {  	[simem:s7], [sflag:s8] =	dma.local @!p0 [hbm:s6], $0xF7A  }
0x23: {  	s9 =	sor.u32 $0xD0000000, s2;
	s6 =	simm.s32 $0x108;
	_ =	swait.ge @!p0 [sflag:s8], $0x0  }
0x24: {  	s3 =	sadd.s32 $0x88, s3;
	s6 =	simm.s32 @!p1 $0x1082;
	[sflag:s4] =	ssyncset.s32 $0xFFFFF086  }
0x25: {  	[simem:s6], [sflag:s4] =	dma.local [hbm:s3], $0xF7A  }
0x26: {  	[smem:$0x3F9F] =	sst s1;
	(tag) =	ssettag s2;
	_ =	strace s9  }
0x27: {  	s1 =	sld [smem:$0x3FAF]  }
0x28: {  	s2 =	sld [smem:$0x3FB0]  }
0x29: {  	s4 =	sld [smem:$0x3FB2]  }
0x2a: {  	p0 =	seq.s32 s5, $0x0;
	s5 =	sld [smem:$0x3FB3]  }
0x2b: {  	s6 =	sld [smem:$0x3FB4]  }
0x2c: {  	s7 =	sld [smem:$0x3FB5]  }
0x2d: {  	s3 =	simm.s32 $0x108;
	s8 =	sld [smem:$0x3FB6]  }
0x2e: {  	s3 =	simm.s32 @!p0 $0x1082;
	s9 =	sld [smem:$0x3FB7]  }
0x2f: {  	lr =	sadd.s32 s0, s3;
	s0 =	sld [smem:$0x3FAE]  }
0x30: {  	s3 =	sld [smem:$0x3FB1]  }
0x31: {  	[smem:$0x3FBA] =	sst s10  }
0x32: {  	s10 =	sld [smem:$0x3FB8];
	_ =	sdelay $0x3  }
0x33: {  	p0 =	seq.s32 s10, $0x1;
	s10 =	sld [smem:$0x3FBA];
	_ =	sdelay $0x3  }
0x34: {  	[smem:$0x3FBA] =	sst s10  }
0x35: {  	s10 =	sld [smem:$0x3FB9];
	_ =	sdelay $0x3  }
0x36: {  	p1 =	seq.s32 s10, $0x1;
	s10 =	sld [smem:$0x3FBA];
	_ =	sdelay $0x3  }
0x37: {  	[smem:$0x3FBA] =	sst s10  }
0x38: {  	s10 =	sld [smem:$0x3FBB]  }
0x39: {  	_ = 	snop;
	(pc) =	sbr.ind lr, $3  }
0x3a: {  	_ = 	snop  }
0x3b: {  	_ = 	snop  }
0x3c: {  	p2 =	seq.s32 s10, $0x1;
	s10 =	sld [smem:$0x3FBA]  }
0x3d: {  	_ =	shalt  }
0x3e: {  	_ =	shalt  }
0x3f: {  	_ =	shalt  }
0x40: {  	_ =	shalt  }
0x41: {  	_ =	shalt  }
0x42: {  	_ =	shalt  }
0x43: {  	_ =	shalt  }
0x44: {  	_ =	shalt  }
0x45: {  	_ =	shalt  }
0x46: {  	_ =	shalt  }
0x47: {  	_ =	shalt  }
0x48: {  	_ =	shalt  }
0x49: {  	_ =	shalt  }
0x4a: {  	_ =	shalt  }
0x4b: {  	_ =	shalt  }
0x4c: {  	_ =	shalt  }
0x4d: {  	_ =	shalt  }
0x4e: {  	_ =	shalt  }
0x4f: {  	_ =	shalt  }
0x50: {  	_ =	shalt  }
0x51: {  	_ =	shalt  }
0x52: {  	_ =	shalt  }
0x53: {  	_ =	shalt  }
0x54: {  	_ =	shalt  }
0x55: {  	_ =	shalt  }
0x56: {  	_ =	shalt  }
0x57: {  	_ =	shalt  }
0x58: {  	_ =	shalt  }
0x59: {  	_ =	shalt  }
0x5a: {  	_ =	shalt  }
0x5b: {  	_ =	shalt  }
0x5c: {  	_ =	shalt  }
0x5d: {  	_ =	shalt  }
0x5e: {  	_ =	shalt  }
0x5f: {  	_ =	shalt  }
0x60: {  	_ =	shalt  }
0x61: {  	_ =	shalt  }
0x62: {  	_ =	shalt  }
0x63: {  	_ =	shalt  }
0x64: {  	_ =	shalt  }
0x65: {  	_ =	shalt  }
0x66: {  	_ =	shalt  }
0x67: {  	_ =	shalt  }
0x68: {  	_ =	shalt  }
0x69: {  	_ =	shalt  }
0x6a: {  	_ =	shalt  }
0x6b: {  	_ =	shalt  }
0x6c: {  	_ =	shalt  }
0x6d: {  	_ =	shalt  }
0x6e: {  	_ =	shalt  }
0x6f: {  	_ =	shalt  }
0x70: {  	_ =	shalt  }
0x71: {  	_ =	shalt  }
0x72: {  	_ =	shalt  }
0x73: {  	_ =	shalt  }
0x74: {  	_ =	shalt  }
0x75: {  	_ =	shalt  }
0x76: {  	_ =	shalt  }
0x77: {  	_ =	shalt  }
0x78: {  	_ =	shalt  }
0x79: {  	_ =	shalt  }
0x7a: {  	_ =	shalt  }
0x7b: {  	_ =	shalt  }
0x7c: {  	_ =	shalt  }
0x7d: {  	_ =	shalt  }
0x7e: {  	_ =	shalt  }
0x7f: {  	_ =	shalt  }
0x80: {  	_ =	shalt  }
0x81: {  	_ =	shalt  }
0x82: {  	_ =	shalt  }
0x83: {  	_ =	shalt  }
0x84: {  	_ =	shalt  }
0x85: {  	_ =	shalt  }
0x86: {  	_ =	shalt  }
0x87: {  	_ =	shalt  }
.Lfunc_end0:
.L_simem_size_0:
called_computation_lowered:
.L_overlay_start_0:
0x88: {  	s2 =	sld [smem:$0x3FD9]  }
0x89: {  	s3 =	sld [smem:$0x3FFE];
	_ =	sdelay $0x1  }
0x8a: {  	s1 =	srdreg.scid  }
0x8b: {  	s0 =	sand.u32 $0x1, s1  }
0x8c: {  	s18 =	sshll.u32 s0, $0xA;
	s2 =	sadd.s32 s3, s2  }
0x8d: {  	s2 =	sadd.s32 s2, s18  }
0x8e: {  	[smem:$0x3FC6] =	sst s2  }
0x8f: {  	_ = 	snop  }
0x90: {  	s2 =	sld [smem:$0x3FC9]  }
0x91: {  	s19 =	sld [smem:$0x3FC8]  }
0x92: {  	s4 =	sld [smem:$0x3FD0];
	(tm) =	ssettm $0x1  }
0x93: {  	s5 =	sld [smem:$0x3FFB];
	_ =	sdelay $0x3  }
0x94: {  	_ =	strace s5  }
0x95: {  	s5 =	sld [smem:$0x3FFC];
	_ =	sdelay $0x3  }
0x96: {  	_ =	strace s5  }
0x97: {  	s5 =	sld [smem:$0x3FFD];
	_ =	sdelay $0x3  }
0x98: {  	_ =	strace s5  }
0x99: {  	_ =	strace $0x8FFFFFFF  }
0x9a: {  	s20 =	sld [smem:$0x3FDB];
	_ =	sdelay $0x1  }
0x9b: {  	s6 =	simm.s32 $_scs_section_size  }
0x9c: {  	s7 =	simm.s32 $_size__tile_overlayer_lowered;
	s8 =	simm.s32 $_tile_overlayer_lowered  }
0x9d: {  	s23 =	simm.s32 $0x1BFF;
	s22 =	sshll.u32 s8, $0x1;
	s5 =	sadd.s32 s6, s20  }
0x9e: {  	s9 =	simm.s32 $0x0;
	s21 =	sshll.u32 s7, $0x1;
	s7 =	sadd.s32 s22, s5  }
0x9f: {  	[timem:s9], [sflag:s23] =	dma.local [hbm:s7], s21  }
0xa0: {  	_ =	swait.ge [sflag:s23], s21  }
0xa1: {  	s6 =	ssub.s32 $0x0, s21;
	[sflag:s23] =	ssyncset.done $0x0  }
0xa2: {  	[sflag:s23] =	ssyncadd.s32 s6;
	_ =	sdelay $0x1  }
0xa3: {  	s24 =	simm.s32 $0x1B8B  }
0xa4: {  	_ =	swait.ge [sflag:s24], $0x1  }
0xa5: {  	[sflag:s24] =	ssyncset.done $0x0  }
0xa6: {  	s25 =	simm.s32 $0x1B8E;
	[sflag:s24] =	ssyncadd.s32 $0xFFFFFFFF  }
0xa7: {  	s26 =	simm.s32 $execute0_lowered;
	[smem:$0x3FD2] =	sst s25  }
0xa8: {  	s6 =	sshll.u32 s26, $0x1;
	_ =	strace $0x80000046;
	[dreg:$0x1] =	wrdreg $0xFFFFFFFF  }
0xa9: {  	s28 =	simm.s32 $_size_execute0_lowered;
	s5 =	sadd.s32 s5, s6;
	[dreg:$0x0] =	wrdreg $0x0  }
0xaa: {  	s6 =	sshll.u32 s28, $0x1;
	[dreg:$0x2] =	wrdreg s5  }
0xab: {  	[dreg:$0x3] =	wrdreg s6  }
0xac: {  	[dreg:$0x4] =	wrdreg $0xC0  }
0xad: {  	_ =	task [dreg:s9], $0x5FFFF  }
0xae: {  	[dreg:$0x1] =	wrdreg $0xFFFFFFFF  }
0xaf: {  	[dreg:$0x0] =	wrdreg $0x60  }
0xb0: {  	[dreg:$0x2] =	wrdreg s19  }
0xb1: {  	[dreg:$0x3] =	wrdreg s2  }
0xb2: {  	[dreg:$0x4] =	wrdreg s4  }
0xb3: {  	[dreg:$0x5] =	wrdreg $0x1E7000  }
0xb4: {  	[dreg:$0x6] =	wrdreg $0x9  }
0xb5: {  	_ =	task.clear_ibuf [dreg:s9], $0x7FFFF;
	_ =	strace $0x90000046  }
0xb6: {  	s29 =	simm.s32 $0x9;
	_ =	strace $0x80000048  }
0xb7: {  	_ =	swait.ge [sflag:s29], $0x1  }
0xb8: {  	[sflag:s29] =	ssyncadd.s32 $0xFFFFFFFF  }
0xb9: {  	_ =	strace $0x90000048  }
0xba: {  	_ =	sfence  }
0xbb: {  	s30 =	sld [smem:$0x0];
	_ =	sdelay $0x2  }
0xbc: {  	s31 =	sshll.u32 s1, $0xD;
	s1 =	sshrl.u32 s1, $0x2  }
0xbd: {  	s3 =	sand.u32 $0x4000, s31;
	s1 =	sadd.s32 s1, s30  }
0xbe: {  	s0 =	sor.u32 s3, s0;
	s1 =	sshll.u32 s1, $0x11  }
0xbf: {  	s0 =	sor.u32 s1, s0  }
0xc0: {  	s0 =	sadd.s32 $0x8F2B, s0  }
0xc1: {  	[sflag:s0] =	ssyncadd.remote.s32 $0x1  }
0xc2: {  	_ =	sfence.sel $0xFFFF  }
0xc3: {  	[dreg:$0x0] =	wrdreg $0xFFFFFFFF;
	(pc) =	sbr.abs _section_cstart, $3  }
0xc4: {  	[dreg:$0x1] =	wrdreg $0xFFFFFFFF  }
0xc5: {  	_ =	task.clear_ibuf [dreg:s9], $0x2FFFF;
	_ =	strace $0x9FFFFFFF  }
0xc6: {  	(tm) =	ssettm $0x7FFFFFFF  }
0xc7: {  	_ =	shalt  }
tec
execute0_lowered:
.L_overlay_start_1:
0x0: {  	(tag) =	ssettag $0x1  }
0x1: {  	s0 =	rddreg [dreg:$0x0]  }
0x2: {  	s1 =	rddreg [dreg:$0x1]  }
0x3: {  	s2 =	rddreg [dreg:$0x2]  }
0x4: {  	s25 =	rddreg [dreg:$0x3];
	s4 =	simm.s32 $0x0  }
0x5: {  	s3 =	srdreg.scid;
	s11 =	stileid.u32;
	s28 =	simm.s32 $0x18700  }
0x6: {  	s29 =	simm.s32 $0x1;
	s30 =	simm.s32 $0x80;
	s31 =	simm.s32 $0x400  }
0x7: {  	s16 =	simm.s32 $0x4;
	[smem:$0x7FF] =	sst s4;
	s3 =	sand.u32 $0x1, s3  }
0x8: {  	s7 =	sadd.s32 $0x10, s1;
	s8 =	sadd.s32 $0x2000, s25;
	s17 =	sadd.s32 $0x20, s1  }
0x9: {  	s10 =	sadd.s32 $0x3000, s25;
	s18 =	sshll.u32 s11, $0x7;
	s12 =	sadd.s32 $0x30, s1  }
0xa: {  	s19 =	sadd.s32 $0x40, s1;
	p0 =	sne.s32 s11, $0x0;
	_ =	strace $0x80000047  }
0xb: {  	s5 =	ssub.s32 $0x2, s3;
	s3 =	sshll.u32 s3, $0x4;
	[dreg:$0x5] =	wrdreg s7  }
0xc: {  	p1 =	seq.s32 s11, $0x0;
	[dreg:$0x6] =	wrdreg s17;
	s3 =	sor.u32 s11, s3  }
0xd: {  	s7 =	sand.u32 $0x380, s18;
	[dreg:$0x7] =	wrdreg s12;
	s3 =	sshrl.u32 s3, $0x3  }
0xe: {  	s12 =	sadd.s32 $0x4000, s25;
	[dreg:$0x8] =	wrdreg s19;
	s9 =	smul.u32 $0xC3800, s3  }
0xf: {  	s19 =	sadd.s32 $0x5000, s25;
	s6 =	sshrl.u32 s5, $0x1;
	s3 =	sshll.u32 s3, $0xF  }
0x10: {  	s5 =	ssub.s32 s5, s6;
	s13 =	sor.u32 s7, s3;
	s20 =	sor.u32 s7, s9  }
0x11: {  	s26 =	smax.u32 s5, $0x1;
	s21 =	sshrl.u32 s13, $0x3;
	s3 =	sshrl.u32 s20, $0x3  }
0x12: {  	[dreg:$0xc] =	wrdreg s26;
	s22 =	sor.u32 $0x318000, s21;
	s0 =	sadd.s32 s0, s3  }
0x13: {  	s7 =	sor.u32 $0x31C000, s21;
	s23 =	sadd.s32 s2, s22;
	[dreg:$0x9] =	wrdreg s0  }
0x14: {  	s17 =	simm.s32 $0x5;
	s24 =	sadd.s32 s2, s7;
	[dreg:$0xa] =	wrdreg s23  }
0x15: {  	s6 =	sadd.s32 $0x1000, s25;
	[dreg:$0xb] =	wrdreg s24;
	s0 =	sshrl.u32 @!p0 s25, $0x3  }
0x16: {  	s18 =	simm.s32 $0x6;
	[dreg:$0xd] =	wrdreg s0;
	s0 =	sshrl.u32 @!p0 s6, $0x3  }
0x17: {  	s11 =	simm.s32 $0x3;
	[dreg:$0xe] =	wrdreg s0;
	s0 =	sshrl.u32 @!p0 s8, $0x3  }
0x18: {  	s5 =	simm.s32 $0x0;
	[dreg:$0xf] =	wrdreg s0;
	s0 =	sshrl.u32 @!p0 s10, $0x3  }
0x19: {  	s9 =	simm.s32 $0x1C700;
	[dreg:$0x10] =	wrdreg s0;
	s0 =	sshrl.u32 @!p0 s12, $0x3  }
0x1a: {  	s7 =	simm.s32 $0x2;
	[dreg:$0x11] =	wrdreg s0;
	s0 =	simm.s32 $0x1B700  }
.LBB2_1:
0x1b: {  	[dreg:$0x12] =	wrdreg s5;
	s3 =	simm.s32 @p0 $0x80  }
0x1c: {  	s5 =	simm.s32 @p0 $0x400;
	s15 =	simm.s32 @p0 $0x0;
	s21 =	rddreg [dreg:$0x9]  }
0x1d: {  	[tilespmem:s15], [sflag:$0x8] =	stream.strided.gather @p0 [hbm4b:s21+s3], $0x18700, s5, s3, $0x38;
	[tilespmem:$0x1ED00] =	vst v63  }
0x1e: {  	s3 =	simm.s32 @p0 $0x8  }
0x1f: {  	s20 =	simm.s32 @!p0 $0x1C07;
	_ =	swait.ge @p0 [sflag:s3], $0x18700  }
0x20: {  	s5 =	simm.s32 @!p0 $0x10;
	s15 =	simm.s32 @!p0 $0x80;
	[sflag:s3] =	ssyncset.done @p0 $0x0  }
0x21: {  	s14 =	rddreg [dreg:$0xd];
	[sflag:s3] =	ssyncadd.s32 @p0 $0xFFFE7900;
	s3 =	simm.s32 @!p0 $0x1  }
0x22: {  	[spmem:s14@s5], [sflag:s20] =	dma.strided @!p0 [hbm:s1@s15], $0x200, s3, $0x10   }
0x23: {  	s14 =	rddreg [dreg:$0x5]  }
0x24: {  	s22 =	rddreg [dreg:$0xe]  }
0x25: {  	[spmem:s22@s5], [sflag:s20] =	dma.strided @!p0 [hbm:s14@s15], $0x200, s3, $0x10   }
0x26: {  	s14 =	rddreg [dreg:$0x6]  }
0x27: {  	s22 =	rddreg [dreg:$0xf]  }
0x28: {  	[spmem:s22@s5], [sflag:s20] =	dma.strided @!p0 [hbm:s14@s15], $0x200, s3, $0x10   }
0x29: {  	s14 =	rddreg [dreg:$0x7]  }
0x2a: {  	s22 =	rddreg [dreg:$0x10]  }
0x2b: {  	[spmem:s22@s5], [sflag:s20] =	dma.strided @!p0 [hbm:s14@s15], $0x200, s3, $0x10   }
0x2c: {  	s14 =	rddreg [dreg:$0x8]  }
0x2d: {  	s22 =	rddreg [dreg:$0x11]  }
0x2e: {  	[spmem:s22@s5], [sflag:s20] =	dma.strided @!p0 [hbm:s14@s15], $0x200, s3, $0x10   }
0x2f: {  	s3 =	simm.s32 @!p0 $0x400;
	s5 =	simm.s32 @!p0 $0x0  }
0x30: {  	[tilespmem:s5], [sflag:$0x8] =	stream.strided.gather @!p0 [hbm4b:s21+s15], $0x18700, s3, s15, $0x38;
	[tilespmem:$0x1ED00] =	vst v63  }
0x31: {  	s3 =	simm.s32 @!p0 $0x8  }
0x32: {  	_ =	swait.ge @!p0 [sflag:s3], $0x18700  }
0x33: {  	[sflag:s3] =	ssyncset.done @!p0 $0x0  }
0x34: {  	[sflag:s3] =	ssyncadd.s32 @!p0 $0xFFFE7900;
	s3 =	simm.s32 @!p0 $0x7  }
0x35: {  	_ =	swait.ge @!p0 [sflag:s3], $0x200  }
0x36: {  	[sflag:s3] =	ssyncset.done @!p0 $0x0  }
0x37: {  	[sflag:s3] =	ssyncadd.s32 @!p0 $0xFFFFFE00  }
0x38: {  	_ =	swait.ge @!p0 [sflag:s3], $0x200  }
0x39: {  	[sflag:s3] =	ssyncset.done @!p0 $0x0  }
0x3a: {  	[sflag:s3] =	ssyncadd.s32 @!p0 $0xFFFFFE00  }
0x3b: {  	[bflag:$0x0] =	sbarrier.arrive $0xFFFF  }
0x3c: {  	[tilespmem:s28], [sflag:$0x1] =	stream.linear.gather [spmem:s25], $0x1000, $0x38;
	[tilespmem:$0x1ED00] =	vst v63  }
0x3d: {  	s21 =	simm.s32 $0x0;
	s28 =	simm.s32 $0x19700  }
0x3e: {  	[tilespmem:s28], [sflag:$0x2] =	stream.linear.gather [spmem:s6], $0x1000, $0x38;
	[tilespmem:$0x1ED00] =	vst v63  }
.LBB2_2:
0x3f: {  	s23 =	smul.u32 $0x6, s21  }
0x40: {  	s5 =	simm.s32 @p1 $0x7;
	s20 =	simm.s32 @p1 $0x1  }
0x41: {  	s22 =	simm.s32 @p1 $0x10;
	_ =	swait.ge @p1 [sflag:s5], $0x200;
	s3 =	sadd.s32 @p1 $0x5, s23  }
0x42: {  	s24 =	simm.s32 @p1 $0x80;
	[sflag:s5] =	ssyncset.done @p1 $0x0;
	s15 =	sshll.u32 @p1 s3, $0x4  }
0x43: {  	[sflag:s5] =	ssyncadd.s32 @p1 $0xFFFFFE00;
	s5 =	sshll.u32 @p1 s3, $0x9;
	s15 =	sand.u32 @p1 $0x70, s15  }
0x44: {  	s28 =	simm.s32 @p1 $0x1C07;
	s5 =	sand.u32 @p1 $0x7F000, s5;
	s15 =	sadd.s32 @p1 s1, s15  }
0x45: {  	[bflag:$0x0] =	sbarrier.arrive @p1 $0xFFFF;
	s5 =	sadd.s32 @p1 s5, s15;
	s15 =	sshrl.u32 @p1 s19, $0x3  }
0x46: {  	[spmem:s15@s22], [sflag:s28] =	dma.strided @p1 [hbm:s5@s24], $0x200, s20, $0x10   }
0x47: {  	s26 =	simm.s32 $0x1A700;
	[bflag:$0x0] =	sbarrier.arrive @!p1 $0xFFFF  }
0x48: {  	[tilespmem:s26], [sflag:$0x3] =	stream.linear.gather [spmem:s8], $0x1000, $0x38;
	[tilespmem:$0x1ED00] =	vst v63  }
0x49: {  	_ =	swait.ge [sflag:s29], $0x1000  }
0x4a: {  	p2 =	seq.s32 s21, $0x0;
	[sflag:s29] =	ssyncset.done $0x0  }
0x4b: {  	s5 =	simm.s32 @!p2 $0x4;
	[sflag:s29] =	ssyncadd.s32 $0xFFFFF000  }
0x4c: {  	_ =	swait.ge @!p2 [sflag:s5], $0x1000  }
0x4d: {  	[sflag:s5] =	ssyncset.done @!p2 $0x0  }
0x4e: {  	s28 =	simm.s32 $0x18780;
	[sflag:s5] =	ssyncadd.s32 @!p2 $0xFFFFF000  }
0x4f: {  	v0 =	vld [tilespmem:s28+$0x70]  }
0x50: {  	v1 =	vld [tilespmem:s28+$0xFFFFFF90]  }
0x51: {  	v2 =	vld [tilespmem:s28+$0xFFFFFFA0]  }
0x52: {  	v3 =	vld [tilespmem:s28+$0xFFFFFFB0]  }
0x53: {  	v4 =	vld [tilespmem:s28+$0xFFFFFFC0]  }
0x54: {  	v5 =	vld [tilespmem:s28+$0xFFFFFFD0]  }
0x55: {  	v6 =	vld [tilespmem:s28+$0xFFFFFFE0]  }
0x56: {  	v7 =	vld [tilespmem:s28+$0xFFFFFFF0]  }
0x57: {  	v8 =	vld [tilespmem:s28+$0x0]  }
0x58: {  	v9 =	vld [tilespmem:s28+$0x10]  }
0x59: {  	v10 =	vld [tilespmem:s28+$0x20]  }
0x5a: {  	v11 =	vld [tilespmem:s28+$0x30]  }
0x5b: {  	v12 =	vld [tilespmem:s28+$0x40]  }
0x5c: {  	v13 =	vld [tilespmem:s28+$0x50]  }
0x5d: {  	v14 =	vld [tilespmem:s28+$0x60]  }
0x5e: {  	v15 =	vld [tilespmem:s28+$0xFFFFFF80]  }
0x5f: {  	v0 =	vld.idx.msk [tilespmem:v0+s4+$0x0], $0xffff  }
0x60: {  	v1 =	vld.idx.msk [tilespmem:v1+s4+$0x0], $0xffff  }
0x61: {  	v2 =	vld.idx.msk [tilespmem:v2+s4+$0x0], $0xffff  }
0x62: {  	v3 =	vld.idx.msk [tilespmem:v3+s4+$0x0], $0xffff  }
0x63: {  	v4 =	vld.idx.msk [tilespmem:v4+s4+$0x0], $0xffff  }
0x64: {  	s20 =	simm.s32 $0x1B780;
	v5 =	vld.idx.msk [tilespmem:v5+s4+$0x0], $0xffff  }
0x65: {  	v6 =	vld.idx.msk [tilespmem:v6+s4+$0x0], $0xffff;
	[tilespmem:s20+$0x70] =	vst v0  }
0x66: {  	v7 =	vld.idx.msk [tilespmem:v7+s4+$0x0], $0xffff;
	[tilespmem:s20+$0xFFFFFF90] =	vst v1  }
0x67: {  	v15 =	vld.idx.msk [tilespmem:v15+s4+$0x0], $0xffff;
	[tilespmem:s20+$0xFFFFFFA0] =	vst v2  }
0x68: {  	v8 =	vld.idx.msk [tilespmem:v8+s4+$0x0], $0xffff;
	[tilespmem:s20+$0xFFFFFFB0] =	vst v3  }
0x69: {  	[tilespmem:s20+$0xFFFFFFC0] =	vst v4;
	v0 =	vld.idx.msk [tilespmem:v9+s4+$0x0], $0xffff  }
0x6a: {  	[tilespmem:s20+$0xFFFFFFD0] =	vst v5;
	v1 =	vld.idx.msk [tilespmem:v10+s4+$0x0], $0xffff  }
0x6b: {  	[tilespmem:s20+$0xFFFFFFE0] =	vst v6;
	v2 =	vld.idx.msk [tilespmem:v11+s4+$0x0], $0xffff  }
0x6c: {  	[tilespmem:s20+$0xFFFFFFF0] =	vst v7;
	v3 =	vld.idx.msk [tilespmem:v12+s4+$0x0], $0xffff  }
0x6d: {  	s22 =	sadd.s32 @!p1 $0x5, s23;
	[tilespmem:s20+$0xFFFFFF80] =	vst v15;
	v4 =	vld.idx.msk [tilespmem:v13+s4+$0x0], $0xffff  }
0x6e: {  	s15 =	simm.s32 $0x0;
	s22 =	smov.u32 @p1 s3;
	s5 =	simm.s32 $0x18880;
	[tilespmem:s20+$0x0] =	vst v8;
	v5 =	vld.idx.msk [tilespmem:v14+s4+$0x0], $0xffff  }
.LBB2_3:
0x6f: {  	v6 =	vld [tilespmem:s5+$0x70];
	s15 =	sadd.s32 $0x10, s15;
	[tilespmem:s20+$0x10] =	vst v0  }
0x70: {  	v0 =	vld [tilespmem:s5+$0xFFFFFF90];
	p3 =	slt.u32 s15, $0xF0;
	[tilespmem:s20+$0x20] =	vst v1  }
0x71: {  	v1 =	vld [tilespmem:s5+$0xFFFFFFA0];
	[tilespmem:s20+$0x30] =	vst v2  }
0x72: {  	v2 =	vld [tilespmem:s5+$0xFFFFFFB0];
	[tilespmem:s20+$0x40] =	vst v3  }
0x73: {  	v3 =	vld [tilespmem:s5+$0xFFFFFFC0];
	[tilespmem:s20+$0x50] =	vst v4  }
0x74: {  	v4 =	vld [tilespmem:s5+$0xFFFFFFD0];
	[tilespmem:s20+$0x60] =	vst v5  }
0x75: {  	v5 =	vld [tilespmem:s5+$0xFFFFFFE0]  }
0x76: {  	v7 =	vld [tilespmem:s5+$0xFFFFFFF0]  }
0x77: {  	v6 =	vld.idx.msk [tilespmem:v6+s4+$0x0], $0xffff  }
0x78: {  	v8 =	vld [tilespmem:s5+$0x0]  }
0x79: {  	v9 =	vld [tilespmem:s5+$0x10]  }
0x7a: {  	v10 =	vld [tilespmem:s5+$0x20]  }
0x7b: {  	v11 =	vld [tilespmem:s5+$0x30]  }
0x7c: {  	s20 =	sadd.s32 $0x100, s20;
	v12 =	vld [tilespmem:s5+$0x40]  }
0x7d: {  	v13 =	vld [tilespmem:s5+$0x50];
	[tilespmem:s20+$0x70] =	vst v6  }
0x7e: {  	v6 =	vld [tilespmem:s5+$0x60]  }
0x7f: {  	v14 =	vld [tilespmem:s5+$0xFFFFFF80]  }
0x80: {  	v0 =	vld.idx.msk [tilespmem:v0+s4+$0x0], $0xffff  }
0x81: {  	v1 =	vld.idx.msk [tilespmem:v1+s4+$0x0], $0xffff  }
0x82: {  	v2 =	vld.idx.msk [tilespmem:v2+s4+$0x0], $0xffff  }
0x83: {  	v3 =	vld.idx.msk [tilespmem:v3+s4+$0x0], $0xffff  }
0x84: {  	v4 =	vld.idx.msk [tilespmem:v4+s4+$0x0], $0xffff  }
0x85: {  	v5 =	vld.idx.msk [tilespmem:v5+s4+$0x0], $0xffff  }
0x86: {  	[tilespmem:s20+$0xFFFFFF90] =	vst v0;
	v7 =	vld.idx.msk [tilespmem:v7+s4+$0x0], $0xffff  }
0x87: {  	v14 =	vld.idx.msk [tilespmem:v14+s4+$0x0], $0xffff;
	[tilespmem:s20+$0xFFFFFFA0] =	vst v1  }
0x88: {  	[tilespmem:s20+$0xFFFFFFB0] =	vst v2;
	v8 =	vld.idx.msk [tilespmem:v8+s4+$0x0], $0xffff  }
0x89: {  	[tilespmem:s20+$0xFFFFFFC0] =	vst v3;
	v0 =	vld.idx.msk [tilespmem:v9+s4+$0x0], $0xffff  }
.Ltmp0:
0x8a: {  	[tilespmem:s20+$0xFFFFFFD0] =	vst v4;
	v1 =	vld.idx.msk [tilespmem:v10+s4+$0x0], $0xffff;
	(pc) =	sbr.rel @p3 .LBB2_3-.Ltmp0, $4  }
0x8b: {  	[tilespmem:s20+$0xFFFFFFE0] =	vst v5;
	v2 =	vld.idx.msk [tilespmem:v11+s4+$0x0], $0xffff  }
0x8c: {  	[tilespmem:s20+$0xFFFFFFF0] =	vst v7;
	v3 =	vld.idx.msk [tilespmem:v12+s4+$0x0], $0xffff  }
0x8d: {  	[tilespmem:s20+$0xFFFFFF80] =	vst v14;
	v4 =	vld.idx.msk [tilespmem:v13+s4+$0x0], $0xffff  }
0x8e: {  	s5 =	sadd.s32 $0x100, s5;
	[tilespmem:s20+$0x0] =	vst v8;
	v5 =	vld.idx.msk [tilespmem:v6+s4+$0x0], $0xffff  }
0x8f: {  	[tilespmem:s20+$0x10] =	vst v0  }
0x90: {  	[tilespmem:s20+$0x20] =	vst v1;
	s24 =	smul.u32 $0xC0000, s21  }
0x91: {  	[tilespmem:s20+$0x30] =	vst v2  }
0x92: {  	[tilespmem:s20+$0x40] =	vst v3;
	s3 =	sor.u32 s13, s24  }
0x93: {  	[tilespmem:s20+$0x50] =	vst v4;
	s15 =	sshrl.u32 s3, $0x3  }
0x94: {  	[tilespmem:s20+$0x60] =	vst v5;
	s3 =	sadd.s32 s2, s15  }
0x95: {  	[hbm4b:s3+s30] =	stream.strided.scatter [tilespmem:s0], [sflag:$0x4], $0x1000, s31, s30, $0x38;
	[tilespmem:$0x1ED00] =	vst v63  }
0x96: {  	s3 =	simm.s32 @p1 $0x7  }
0x97: {  	s5 =	sadd.s32 @p1 $0x6, s23;
	_ =	swait.ge @p1 [sflag:s3], $0x200  }
0x98: {  	s26 =	smov.u32 s25;
	s28 =	simm.s32 @p1 $0x10;
	[sflag:s3] =	ssyncset.done @p1 $0x0  }
0x99: {  	s14 =	simm.s32 @p1 $0x80;
	s20 =	sshll.u32 @p1 s5, $0x4;
	[sflag:s3] =	ssyncadd.s32 @p1 $0xFFFFFE00  }
0x9a: {  	s3 =	sshll.u32 @p1 s5, $0x9;
	s5 =	sand.u32 @p1 $0x60, s20;
	s20 =	simm.s32 @p1 $0x1  }
0x9b: {  	[bflag:$0x0] =	sbarrier.arrive @p1 $0xFFFF;
	s3 =	sand.u32 @p1 $0x7F000, s3;
	s5 =	sadd.s32 @p1 s1, s5  }
0x9c: {  	s3 =	sadd.s32 @p1 s3, s5;
	s5 =	sshrl.u32 @p1 s25, $0x3;
	s25 =	simm.s32 @p1 $0x1C07  }
0x9d: {  	[spmem:s5@s28], [sflag:s25] =	dma.strided @p1 [hbm:s3@s14], $0x200, s20, $0x10   }
0x9e: {  	s28 =	simm.s32 $0x18700;
	[bflag:$0x0] =	sbarrier.arrive @!p1 $0xFFFF  }
0x9f: {  	[tilespmem:s28], [sflag:$0x1] =	stream.linear.gather [spmem:s10], $0x1000, $0x38;
	[tilespmem:$0x1ED00] =	vst v63  }
0xa0: {  	_ =	swait.ge [sflag:s7], $0x1000  }
0xa1: {  	[sflag:s7] =	ssyncset.done $0x0  }
0xa2: {  	s3 =	simm.s32 @!p2 $0x5;
	[sflag:s7] =	ssyncadd.s32 $0xFFFFF000  }
0xa3: {  	_ =	swait.ge @!p2 [sflag:s3], $0x1000  }
0xa4: {  	[sflag:s3] =	ssyncset.done @!p2 $0x0  }
0xa5: {  	s25 =	simm.s32 $0x19780;
	[sflag:s3] =	ssyncadd.s32 @!p2 $0xFFFFF000  }
0xa6: {  	v0 =	vld [tilespmem:s25+$0x70]  }
0xa7: {  	v1 =	vld [tilespmem:s25+$0xFFFFFF90]  }
0xa8: {  	v2 =	vld [tilespmem:s25+$0xFFFFFFA0]  }
0xa9: {  	v3 =	vld [tilespmem:s25+$0xFFFFFFB0]  }
0xaa: {  	v4 =	vld [tilespmem:s25+$0xFFFFFFC0]  }
0xab: {  	v5 =	vld [tilespmem:s25+$0xFFFFFFD0]  }
0xac: {  	v6 =	vld [tilespmem:s25+$0xFFFFFFE0]  }
0xad: {  	v7 =	vld [tilespmem:s25+$0xFFFFFFF0]  }
0xae: {  	v8 =	vld [tilespmem:s25+$0x0]  }
0xaf: {  	v9 =	vld [tilespmem:s25+$0x10]  }
0xb0: {  	v10 =	vld [tilespmem:s25+$0x20]  }
0xb1: {  	v11 =	vld [tilespmem:s25+$0x30]  }
0xb2: {  	v12 =	vld [tilespmem:s25+$0x40]  }
0xb3: {  	v13 =	vld [tilespmem:s25+$0x50]  }
0xb4: {  	v14 =	vld [tilespmem:s25+$0x60]  }
0xb5: {  	v15 =	vld [tilespmem:s25+$0xFFFFFF80]  }
0xb6: {  	v0 =	vld.idx.msk [tilespmem:v0+s4+$0x0], $0xffff  }
0xb7: {  	v1 =	vld.idx.msk [tilespmem:v1+s4+$0x0], $0xffff  }
0xb8: {  	v2 =	vld.idx.msk [tilespmem:v2+s4+$0x0], $0xffff  }
0xb9: {  	v3 =	vld.idx.msk [tilespmem:v3+s4+$0x0], $0xffff  }
0xba: {  	v4 =	vld.idx.msk [tilespmem:v4+s4+$0x0], $0xffff  }
0xbb: {  	s20 =	simm.s32 $0x1C780;
	v5 =	vld.idx.msk [tilespmem:v5+s4+$0x0], $0xffff  }
0xbc: {  	v6 =	vld.idx.msk [tilespmem:v6+s4+$0x0], $0xffff;
	[tilespmem:s20+$0x70] =	vst v0  }
0xbd: {  	v7 =	vld.idx.msk [tilespmem:v7+s4+$0x0], $0xffff;
	[tilespmem:s20+$0xFFFFFF90] =	vst v1  }
0xbe: {  	v15 =	vld.idx.msk [tilespmem:v15+s4+$0x0], $0xffff;
	[tilespmem:s20+$0xFFFFFFA0] =	vst v2  }
0xbf: {  	v8 =	vld.idx.msk [tilespmem:v8+s4+$0x0], $0xffff;
	[tilespmem:s20+$0xFFFFFFB0] =	vst v3  }
0xc0: {  	[tilespmem:s20+$0xFFFFFFC0] =	vst v4;
	v0 =	vld.idx.msk [tilespmem:v9+s4+$0x0], $0xffff  }
0xc1: {  	[tilespmem:s20+$0xFFFFFFD0] =	vst v5;
	v1 =	vld.idx.msk [tilespmem:v10+s4+$0x0], $0xffff  }
0xc2: {  	[tilespmem:s20+$0xFFFFFFE0] =	vst v6;
	v2 =	vld.idx.msk [tilespmem:v11+s4+$0x0], $0xffff  }
0xc3: {  	[tilespmem:s20+$0xFFFFFFF0] =	vst v7;
	v3 =	vld.idx.msk [tilespmem:v12+s4+$0x0], $0xffff  }
0xc4: {  	[tilespmem:s20+$0xFFFFFF80] =	vst v15;
	v4 =	vld.idx.msk [tilespmem:v13+s4+$0x0], $0xffff  }
0xc5: {  	s5 =	simm.s32 $0x0;
	s3 =	simm.s32 $0x19880;
	[tilespmem:s20+$0x0] =	vst v8;
	v5 =	vld.idx.msk [tilespmem:v14+s4+$0x0], $0xffff  }
.LBB2_5:
0xc6: {  	v6 =	vld [tilespmem:s3+$0x70];
	s5 =	sadd.s32 $0x10, s5;
	[tilespmem:s20+$0x10] =	vst v0  }
0xc7: {  	v0 =	vld [tilespmem:s3+$0xFFFFFF90];
	p3 =	slt.u32 s5, $0xF0;
	[tilespmem:s20+$0x20] =	vst v1  }
0xc8: {  	v1 =	vld [tilespmem:s3+$0xFFFFFFA0];
	[tilespmem:s20+$0x30] =	vst v2  }
0xc9: {  	v2 =	vld [tilespmem:s3+$0xFFFFFFB0];
	[tilespmem:s20+$0x40] =	vst v3  }
0xca: {  	v3 =	vld [tilespmem:s3+$0xFFFFFFC0];
	[tilespmem:s20+$0x50] =	vst v4  }
0xcb: {  	v4 =	vld [tilespmem:s3+$0xFFFFFFD0];
	[tilespmem:s20+$0x60] =	vst v5  }
0xcc: {  	v5 =	vld [tilespmem:s3+$0xFFFFFFE0]  }
0xcd: {  	v7 =	vld [tilespmem:s3+$0xFFFFFFF0]  }
0xce: {  	v6 =	vld.idx.msk [tilespmem:v6+s4+$0x0], $0xffff  }
0xcf: {  	v8 =	vld [tilespmem:s3+$0x0]  }
0xd0: {  	v9 =	vld [tilespmem:s3+$0x10]  }
0xd1: {  	v10 =	vld [tilespmem:s3+$0x20]  }
0xd2: {  	v11 =	vld [tilespmem:s3+$0x30]  }
0xd3: {  	s20 =	sadd.s32 $0x100, s20;
	v12 =	vld [tilespmem:s3+$0x40]  }
0xd4: {  	v13 =	vld [tilespmem:s3+$0x50];
	[tilespmem:s20+$0x70] =	vst v6  }
0xd5: {  	v6 =	vld [tilespmem:s3+$0x60]  }
0xd6: {  	v14 =	vld [tilespmem:s3+$0xFFFFFF80]  }
0xd7: {  	v0 =	vld.idx.msk [tilespmem:v0+s4+$0x0], $0xffff  }
0xd8: {  	v1 =	vld.idx.msk [tilespmem:v1+s4+$0x0], $0xffff  }
0xd9: {  	v2 =	vld.idx.msk [tilespmem:v2+s4+$0x0], $0xffff  }
0xda: {  	v3 =	vld.idx.msk [tilespmem:v3+s4+$0x0], $0xffff  }
0xdb: {  	v4 =	vld.idx.msk [tilespmem:v4+s4+$0x0], $0xffff  }
0xdc: {  	v5 =	vld.idx.msk [tilespmem:v5+s4+$0x0], $0xffff  }
0xdd: {  	[tilespmem:s20+$0xFFFFFF90] =	vst v0;
	v7 =	vld.idx.msk [tilespmem:v7+s4+$0x0], $0xffff  }
0xde: {  	v14 =	vld.idx.msk [tilespmem:v14+s4+$0x0], $0xffff;
	[tilespmem:s20+$0xFFFFFFA0] =	vst v1  }
0xdf: {  	[tilespmem:s20+$0xFFFFFFB0] =	vst v2;
	v8 =	vld.idx.msk [tilespmem:v8+s4+$0x0], $0xffff  }
0xe0: {  	[tilespmem:s20+$0xFFFFFFC0] =	vst v3;
	v0 =	vld.idx.msk [tilespmem:v9+s4+$0x0], $0xffff  }
.Ltmp1:
0xe1: {  	[tilespmem:s20+$0xFFFFFFD0] =	vst v4;
	v1 =	vld.idx.msk [tilespmem:v10+s4+$0x0], $0xffff;
	(pc) =	sbr.rel @p3 .LBB2_5-.Ltmp1, $4  }
0xe2: {  	[tilespmem:s20+$0xFFFFFFE0] =	vst v5;
	v2 =	vld.idx.msk [tilespmem:v11+s4+$0x0], $0xffff  }
0xe3: {  	[tilespmem:s20+$0xFFFFFFF0] =	vst v7;
	v3 =	vld.idx.msk [tilespmem:v12+s4+$0x0], $0xffff  }
0xe4: {  	[tilespmem:s20+$0xFFFFFF80] =	vst v14;
	v4 =	vld.idx.msk [tilespmem:v13+s4+$0x0], $0xffff  }
0xe5: {  	s3 =	sadd.s32 $0x100, s3;
	[tilespmem:s20+$0x0] =	vst v8;
	v5 =	vld.idx.msk [tilespmem:v6+s4+$0x0], $0xffff  }
0xe6: {  	[tilespmem:s20+$0x10] =	vst v0  }
0xe7: {  	[tilespmem:s20+$0x20] =	vst v1  }
0xe8: {  	[tilespmem:s20+$0x30] =	vst v2  }
0xe9: {  	[tilespmem:s20+$0x40] =	vst v3  }
0xea: {  	s3 =	sor.u32 $0x4000, s15;
	[tilespmem:s20+$0x50] =	vst v4  }
0xeb: {  	s3 =	sadd.s32 s2, s3;
	[tilespmem:s20+$0x60] =	vst v5  }
0xec: {  	[hbm4b:s3+s30] =	stream.strided.scatter [tilespmem:s9], [sflag:$0x5], $0x1000, s31, s30, $0x38;
	[tilespmem:$0x1ED00] =	vst v63  }
0xed: {  	s5 =	sadd.s32 @p1 $0x7, s23;
	s3 =	simm.s32 @p1 $0x7  }
0xee: {  	s15 =	simm.s32 @p1 $0x10;
	s25 =	simm.s32 @p1 $0x1C07;
	_ =	swait.ge @p1 [sflag:s3], $0x200  }
0xef: {  	s14 =	sshll.u32 @p1 s5, $0x4;
	s20 =	simm.s32 @p1 $0x80;
	[sflag:s3] =	ssyncset.done @p1 $0x0  }
0xf0: {  	[sflag:s3] =	ssyncadd.s32 @p1 $0xFFFFFE00;
	s3 =	sshll.u32 @p1 s5, $0x9;
	s5 =	sand.u32 @p1 $0x70, s14  }
0xf1: {  	s14 =	simm.s32 @p1 $0x1;
	s3 =	sand.u32 @p1 $0x7F000, s3;
	s5 =	sadd.s32 @p1 s1, s5  }
0xf2: {  	[bflag:$0x0] =	sbarrier.arrive @p1 $0xFFFF;
	s3 =	sadd.s32 @p1 s3, s5;
	s5 =	sshrl.u32 @p1 s6, $0x3  }
0xf3: {  	[spmem:s5@s15], [sflag:s25] =	dma.strided @p1 [hbm:s3@s20], $0x200, s14, $0x10   }
0xf4: {  	s20 =	simm.s32 $0x19700;
	[bflag:$0x0] =	sbarrier.arrive @!p1 $0xFFFF  }
0xf5: {  	[tilespmem:s20], [sflag:$0x2] =	stream.linear.gather [spmem:s12], $0x1000, $0x38;
	[tilespmem:$0x1ED00] =	vst v63  }
0xf6: {  	_ =	swait.ge [sflag:s11], $0x1000  }
0xf7: {  	[sflag:s11] =	ssyncset.done $0x0  }
0xf8: {  	s3 =	simm.s32 @!p2 $0x6;
	[sflag:s11] =	ssyncadd.s32 $0xFFFFF000  }
0xf9: {  	_ =	swait.ge @!p2 [sflag:s3], $0x1000  }
0xfa: {  	[sflag:s3] =	ssyncset.done @!p2 $0x0  }
0xfb: {  	s25 =	simm.s32 $0x1A780;
	[sflag:s3] =	ssyncadd.s32 @!p2 $0xFFFFF000  }
0xfc: {  	v0 =	vld [tilespmem:s25+$0x70]  }
0xfd: {  	v1 =	vld [tilespmem:s25+$0xFFFFFF90]  }
0xfe: {  	v2 =	vld [tilespmem:s25+$0xFFFFFFA0]  }
0xff: {  	v3 =	vld [tilespmem:s25+$0xFFFFFFB0]  }
0x100: {  	v4 =	vld [tilespmem:s25+$0xFFFFFFC0]  }
0x101: {  	v5 =	vld [tilespmem:s25+$0xFFFFFFD0]  }
0x102: {  	v6 =	vld [tilespmem:s25+$0xFFFFFFE0]  }
0x103: {  	v7 =	vld [tilespmem:s25+$0xFFFFFFF0]  }
0x104: {  	v8 =	vld [tilespmem:s25+$0x0]  }
0x105: {  	v9 =	vld [tilespmem:s25+$0x10]  }
0x106: {  	v10 =	vld [tilespmem:s25+$0x20]  }
0x107: {  	v11 =	vld [tilespmem:s25+$0x30]  }
0x108: {  	v12 =	vld [tilespmem:s25+$0x40]  }
0x109: {  	v13 =	vld [tilespmem:s25+$0x50]  }
0x10a: {  	v14 =	vld [tilespmem:s25+$0x60]  }
0x10b: {  	v15 =	vld [tilespmem:s25+$0xFFFFFF80]  }
0x10c: {  	v0 =	vld.idx.msk [tilespmem:v0+s4+$0x0], $0xffff  }
0x10d: {  	v1 =	vld.idx.msk [tilespmem:v1+s4+$0x0], $0xffff  }
0x10e: {  	v2 =	vld.idx.msk [tilespmem:v2+s4+$0x0], $0xffff  }
0x10f: {  	v3 =	vld.idx.msk [tilespmem:v3+s4+$0x0], $0xffff  }
0x110: {  	v4 =	vld.idx.msk [tilespmem:v4+s4+$0x0], $0xffff  }
0x111: {  	s15 =	simm.s32 $0x1D780;
	v5 =	vld.idx.msk [tilespmem:v5+s4+$0x0], $0xffff  }
0x112: {  	v6 =	vld.idx.msk [tilespmem:v6+s4+$0x0], $0xffff;
	[tilespmem:s15+$0x70] =	vst v0  }
0x113: {  	v7 =	vld.idx.msk [tilespmem:v7+s4+$0x0], $0xffff;
	[tilespmem:s15+$0xFFFFFF90] =	vst v1  }
0x114: {  	v15 =	vld.idx.msk [tilespmem:v15+s4+$0x0], $0xffff;
	[tilespmem:s15+$0xFFFFFFA0] =	vst v2  }
0x115: {  	v8 =	vld.idx.msk [tilespmem:v8+s4+$0x0], $0xffff;
	[tilespmem:s15+$0xFFFFFFB0] =	vst v3  }
0x116: {  	[tilespmem:s15+$0xFFFFFFC0] =	vst v4;
	v0 =	vld.idx.msk [tilespmem:v9+s4+$0x0], $0xffff  }
0x117: {  	[tilespmem:s15+$0xFFFFFFD0] =	vst v5;
	v1 =	vld.idx.msk [tilespmem:v10+s4+$0x0], $0xffff  }
0x118: {  	[tilespmem:s15+$0xFFFFFFE0] =	vst v6;
	v2 =	vld.idx.msk [tilespmem:v11+s4+$0x0], $0xffff  }
0x119: {  	[tilespmem:s15+$0xFFFFFFF0] =	vst v7;
	v3 =	vld.idx.msk [tilespmem:v12+s4+$0x0], $0xffff  }
0x11a: {  	[tilespmem:s15+$0xFFFFFF80] =	vst v15;
	v4 =	vld.idx.msk [tilespmem:v13+s4+$0x0], $0xffff  }
0x11b: {  	s5 =	simm.s32 $0x0;
	s3 =	simm.s32 $0x1A880;
	[tilespmem:s15+$0x0] =	vst v8;
	v5 =	vld.idx.msk [tilespmem:v14+s4+$0x0], $0xffff  }
.LBB2_7:
0x11c: {  	v6 =	vld [tilespmem:s3+$0x70];
	s5 =	sadd.s32 $0x10, s5;
	[tilespmem:s15+$0x10] =	vst v0  }
0x11d: {  	v0 =	vld [tilespmem:s3+$0xFFFFFF90];
	p2 =	slt.u32 s5, $0xF0;
	[tilespmem:s15+$0x20] =	vst v1  }
0x11e: {  	v1 =	vld [tilespmem:s3+$0xFFFFFFA0];
	[tilespmem:s15+$0x30] =	vst v2  }
0x11f: {  	v2 =	vld [tilespmem:s3+$0xFFFFFFB0];
	[tilespmem:s15+$0x40] =	vst v3  }
0x120: {  	v3 =	vld [tilespmem:s3+$0xFFFFFFC0];
	[tilespmem:s15+$0x50] =	vst v4  }
0x121: {  	v4 =	vld [tilespmem:s3+$0xFFFFFFD0];
	[tilespmem:s15+$0x60] =	vst v5  }
0x122: {  	v5 =	vld [tilespmem:s3+$0xFFFFFFE0]  }
0x123: {  	v7 =	vld [tilespmem:s3+$0xFFFFFFF0]  }
0x124: {  	v6 =	vld.idx.msk [tilespmem:v6+s4+$0x0], $0xffff  }
0x125: {  	v8 =	vld [tilespmem:s3+$0x0]  }
0x126: {  	v9 =	vld [tilespmem:s3+$0x10]  }
0x127: {  	v10 =	vld [tilespmem:s3+$0x20]  }
0x128: {  	v11 =	vld [tilespmem:s3+$0x30]  }
0x129: {  	s15 =	sadd.s32 $0x100, s15;
	v12 =	vld [tilespmem:s3+$0x40]  }
0x12a: {  	v13 =	vld [tilespmem:s3+$0x50];
	[tilespmem:s15+$0x70] =	vst v6  }
0x12b: {  	v6 =	vld [tilespmem:s3+$0x60]  }
0x12c: {  	v14 =	vld [tilespmem:s3+$0xFFFFFF80]  }
0x12d: {  	v0 =	vld.idx.msk [tilespmem:v0+s4+$0x0], $0xffff  }
0x12e: {  	v1 =	vld.idx.msk [tilespmem:v1+s4+$0x0], $0xffff  }
0x12f: {  	v2 =	vld.idx.msk [tilespmem:v2+s4+$0x0], $0xffff  }
0x130: {  	v3 =	vld.idx.msk [tilespmem:v3+s4+$0x0], $0xffff  }
0x131: {  	v4 =	vld.idx.msk [tilespmem:v4+s4+$0x0], $0xffff  }
0x132: {  	v5 =	vld.idx.msk [tilespmem:v5+s4+$0x0], $0xffff  }
0x133: {  	[tilespmem:s15+$0xFFFFFF90] =	vst v0;
	v7 =	vld.idx.msk [tilespmem:v7+s4+$0x0], $0xffff  }
0x134: {  	v14 =	vld.idx.msk [tilespmem:v14+s4+$0x0], $0xffff;
	[tilespmem:s15+$0xFFFFFFA0] =	vst v1  }
0x135: {  	[tilespmem:s15+$0xFFFFFFB0] =	vst v2;
	v8 =	vld.idx.msk [tilespmem:v8+s4+$0x0], $0xffff  }
0x136: {  	[tilespmem:s15+$0xFFFFFFC0] =	vst v3;
	v0 =	vld.idx.msk [tilespmem:v9+s4+$0x0], $0xffff  }
.Ltmp2:
0x137: {  	[tilespmem:s15+$0xFFFFFFD0] =	vst v4;
	v1 =	vld.idx.msk [tilespmem:v10+s4+$0x0], $0xffff;
	(pc) =	sbr.rel @p2 .LBB2_7-.Ltmp2, $4  }
0x138: {  	[tilespmem:s15+$0xFFFFFFE0] =	vst v5;
	v2 =	vld.idx.msk [tilespmem:v11+s4+$0x0], $0xffff  }
0x139: {  	[tilespmem:s15+$0xFFFFFFF0] =	vst v7;
	v3 =	vld.idx.msk [tilespmem:v12+s4+$0x0], $0xffff  }
0x13a: {  	[tilespmem:s15+$0xFFFFFF80] =	vst v14;
	v4 =	vld.idx.msk [tilespmem:v13+s4+$0x0], $0xffff  }
0x13b: {  	s3 =	sadd.s32 $0x100, s3;
	[tilespmem:s15+$0x0] =	vst v8;
	v5 =	vld.idx.msk [tilespmem:v6+s4+$0x0], $0xffff  }
0x13c: {  	[tilespmem:s15+$0x10] =	vst v0  }
0x13d: {  	[tilespmem:s15+$0x20] =	vst v1  }
0x13e: {  	s24 =	sadd.s32 s13, s24;
	[tilespmem:s15+$0x30] =	vst v2  }
0x13f: {  	s3 =	sadd.s32 $0x40000, s24;
	[tilespmem:s15+$0x40] =	vst v3  }
0x140: {  	p3 =	seq.s32 @p1 s21, $0x20;
	s3 =	sshrl.u32 s3, $0x3;
	[tilespmem:s15+$0x50] =	vst v4  }
0x141: {  	s5 =	simm.s32 $0x1D700;
	p2 =	por p3, !p1;
	s3 =	sadd.s32 s2, s3;
	[tilespmem:s15+$0x60] =	vst v5  }
0x142: {  	[hbm4b:s3+s30] =	stream.strided.scatter [tilespmem:s5], [sflag:$0x6], $0x1000, s31, s30, $0x38;
	[tilespmem:$0x1ED00] =	vst v63  }
0x143: {  	s3 =	smul.u32 @!p2 $0x6000, s21  }
0x144: {  	s14 =	smul.u32 @!p2 $0x300, s21;
	s20 =	simm.s32 @!p2 $0x80  }
0x145: {  	s25 =	simm.s32 @!p2 $0x1C07;
	s5 =	simm.s32 @p1 $0x7;
	s3 =	sadd.s32 @!p2 $0x8000, s3  }
0x146: {  	s14 =	sand.u32 @!p2 $0x300, s14;
	_ =	swait.ge @p1 [sflag:s5], $0x200;
	s3 =	sand.u32 @!p2 $0x3F8000, s3  }
0x147: {  	s15 =	simm.s32 @!p2 $0x10;
	[sflag:s5] =	ssyncset.done @p1 $0x0;
	s3 =	sor.u32 @!p2 s14, s3  }
0x148: {  	[sflag:s5] =	ssyncadd.s32 @p1 $0xFFFFFE00;
	s5 =	sshrl.u32 @!p2 s8, $0x3;
	s3 =	sshrl.u32 @!p2 s3, $0x3  }
0x149: {  	[bflag:$0x0] =	sbarrier.arrive @p1 $0xFFFF;
	s14 =	simm.s32 @!p2 $0x1;
	s3 =	sadd.s32 @!p2 s1, s3  }
0x14a: {  	[spmem:s5@s15], [sflag:s25] =	dma.strided @!p2 [hbm:s3@s20], $0x200, s14, $0x10   }
0x14b: {  	s20 =	simm.s32 $0x1A700;
	[bflag:$0x0] =	sbarrier.arrive @!p1 $0xFFFF  }
0x14c: {  	[tilespmem:s20], [sflag:$0x3] =	stream.linear.gather [spmem:s19], $0x1000, $0x38;
	[tilespmem:$0x1ED00] =	vst v63  }
0x14d: {  	_ =	swait.ge [sflag:s29], $0x1000  }
0x14e: {  	[sflag:s29] =	ssyncset.done $0x0  }
0x14f: {  	[sflag:s29] =	ssyncadd.s32 $0xFFFFF000  }
0x150: {  	_ =	swait.ge [sflag:s16], $0x1000  }
0x151: {  	[sflag:s16] =	ssyncset.done $0x0  }
0x152: {  	s25 =	simm.s32 $0x18780;
	[sflag:s16] =	ssyncadd.s32 $0xFFFFF000  }
0x153: {  	v0 =	vld [tilespmem:s25+$0x70]  }
0x154: {  	v1 =	vld [tilespmem:s25+$0xFFFFFF90]  }
0x155: {  	v2 =	vld [tilespmem:s25+$0xFFFFFFA0]  }
0x156: {  	v3 =	vld [tilespmem:s25+$0xFFFFFFB0]  }
0x157: {  	v4 =	vld [tilespmem:s25+$0xFFFFFFC0]  }
0x158: {  	v5 =	vld [tilespmem:s25+$0xFFFFFFD0]  }
0x159: {  	v6 =	vld [tilespmem:s25+$0xFFFFFFE0]  }
0x15a: {  	v7 =	vld [tilespmem:s25+$0xFFFFFFF0]  }
0x15b: {  	v8 =	vld [tilespmem:s25+$0x0]  }
0x15c: {  	v9 =	vld [tilespmem:s25+$0x10]  }
0x15d: {  	v10 =	vld [tilespmem:s25+$0x20]  }
0x15e: {  	v11 =	vld [tilespmem:s25+$0x30]  }
0x15f: {  	v12 =	vld [tilespmem:s25+$0x40]  }
0x160: {  	v13 =	vld [tilespmem:s25+$0x50]  }
0x161: {  	v14 =	vld [tilespmem:s25+$0x60]  }
0x162: {  	v15 =	vld [tilespmem:s25+$0xFFFFFF80]  }
0x163: {  	v0 =	vld.idx.msk [tilespmem:v0+s4+$0x0], $0xffff  }
0x164: {  	v1 =	vld.idx.msk [tilespmem:v1+s4+$0x0], $0xffff  }
0x165: {  	v2 =	vld.idx.msk [tilespmem:v2+s4+$0x0], $0xffff  }
0x166: {  	v3 =	vld.idx.msk [tilespmem:v3+s4+$0x0], $0xffff  }
0x167: {  	v4 =	vld.idx.msk [tilespmem:v4+s4+$0x0], $0xffff  }
0x168: {  	s15 =	simm.s32 $0x1B780;
	v5 =	vld.idx.msk [tilespmem:v5+s4+$0x0], $0xffff  }
0x169: {  	v6 =	vld.idx.msk [tilespmem:v6+s4+$0x0], $0xffff;
	[tilespmem:s15+$0x70] =	vst v0  }
0x16a: {  	v7 =	vld.idx.msk [tilespmem:v7+s4+$0x0], $0xffff;
	[tilespmem:s15+$0xFFFFFF90] =	vst v1  }
0x16b: {  	v15 =	vld.idx.msk [tilespmem:v15+s4+$0x0], $0xffff;
	[tilespmem:s15+$0xFFFFFFA0] =	vst v2  }
0x16c: {  	v8 =	vld.idx.msk [tilespmem:v8+s4+$0x0], $0xffff;
	[tilespmem:s15+$0xFFFFFFB0] =	vst v3  }
0x16d: {  	[tilespmem:s15+$0xFFFFFFC0] =	vst v4;
	v0 =	vld.idx.msk [tilespmem:v9+s4+$0x0], $0xffff  }
0x16e: {  	[tilespmem:s15+$0xFFFFFFD0] =	vst v5;
	v1 =	vld.idx.msk [tilespmem:v10+s4+$0x0], $0xffff  }
0x16f: {  	[tilespmem:s15+$0xFFFFFFE0] =	vst v6;
	v2 =	vld.idx.msk [tilespmem:v11+s4+$0x0], $0xffff  }
0x170: {  	p4 =	por @p1 $0x0, $0x0;
	p3 =	por !p3, !p1;
	p2 =	por @!p2 $0x1, $0x1;
	[tilespmem:s15+$0xFFFFFFF0] =	vst v7;
	v3 =	vld.idx.msk [tilespmem:v12+s4+$0x0], $0xffff  }
0x171: {  	p2 =	por @!p3 p4, p4;
	p3 =	por @!p1 $0x0, $0x0;
	[tilespmem:s15+$0xFFFFFF80] =	vst v15;
	v4 =	vld.idx.msk [tilespmem:v13+s4+$0x0], $0xffff  }
0x172: {  	s5 =	simm.s32 $0x0;
	s3 =	simm.s32 $0x18880;
	p2 =	por @!p1 p3, p3;
	[tilespmem:s15+$0x0] =	vst v8;
	v5 =	vld.idx.msk [tilespmem:v14+s4+$0x0], $0xffff  }
.LBB2_9:
0x173: {  	v6 =	vld [tilespmem:s3+$0x70];
	s5 =	sadd.s32 $0x10, s5;
	[tilespmem:s15+$0x10] =	vst v0  }
0x174: {  	v0 =	vld [tilespmem:s3+$0xFFFFFF90];
	p3 =	slt.u32 s5, $0xF0;
	[tilespmem:s15+$0x20] =	vst v1  }
0x175: {  	v1 =	vld [tilespmem:s3+$0xFFFFFFA0];
	[tilespmem:s15+$0x30] =	vst v2  }
0x176: {  	v2 =	vld [tilespmem:s3+$0xFFFFFFB0];
	[tilespmem:s15+$0x40] =	vst v3  }
0x177: {  	v3 =	vld [tilespmem:s3+$0xFFFFFFC0];
	[tilespmem:s15+$0x50] =	vst v4  }
0x178: {  	v4 =	vld [tilespmem:s3+$0xFFFFFFD0];
	[tilespmem:s15+$0x60] =	vst v5  }
0x179: {  	v5 =	vld [tilespmem:s3+$0xFFFFFFE0]  }
0x17a: {  	v7 =	vld [tilespmem:s3+$0xFFFFFFF0]  }
0x17b: {  	v6 =	vld.idx.msk [tilespmem:v6+s4+$0x0], $0xffff  }
0x17c: {  	v8 =	vld [tilespmem:s3+$0x0]  }
0x17d: {  	v9 =	vld [tilespmem:s3+$0x10]  }
0x17e: {  	v10 =	vld [tilespmem:s3+$0x20]  }
0x17f: {  	v11 =	vld [tilespmem:s3+$0x30]  }
0x180: {  	s15 =	sadd.s32 $0x100, s15;
	v12 =	vld [tilespmem:s3+$0x40]  }
0x181: {  	v13 =	vld [tilespmem:s3+$0x50];
	[tilespmem:s15+$0x70] =	vst v6  }
0x182: {  	v6 =	vld [tilespmem:s3+$0x60]  }
0x183: {  	v14 =	vld [tilespmem:s3+$0xFFFFFF80]  }
0x184: {  	v0 =	vld.idx.msk [tilespmem:v0+s4+$0x0], $0xffff  }
0x185: {  	v1 =	vld.idx.msk [tilespmem:v1+s4+$0x0], $0xffff  }
0x186: {  	v2 =	vld.idx.msk [tilespmem:v2+s4+$0x0], $0xffff  }
0x187: {  	v3 =	vld.idx.msk [tilespmem:v3+s4+$0x0], $0xffff  }
0x188: {  	v4 =	vld.idx.msk [tilespmem:v4+s4+$0x0], $0xffff  }
0x189: {  	v5 =	vld.idx.msk [tilespmem:v5+s4+$0x0], $0xffff  }
0x18a: {  	[tilespmem:s15+$0xFFFFFF90] =	vst v0;
	v7 =	vld.idx.msk [tilespmem:v7+s4+$0x0], $0xffff  }
0x18b: {  	v14 =	vld.idx.msk [tilespmem:v14+s4+$0x0], $0xffff;
	[tilespmem:s15+$0xFFFFFFA0] =	vst v1  }
0x18c: {  	[tilespmem:s15+$0xFFFFFFB0] =	vst v2;
	v8 =	vld.idx.msk [tilespmem:v8+s4+$0x0], $0xffff  }
0x18d: {  	[tilespmem:s15+$0xFFFFFFC0] =	vst v3;
	v0 =	vld.idx.msk [tilespmem:v9+s4+$0x0], $0xffff  }
.Ltmp3:
0x18e: {  	[tilespmem:s15+$0xFFFFFFD0] =	vst v4;
	v1 =	vld.idx.msk [tilespmem:v10+s4+$0x0], $0xffff;
	(pc) =	sbr.rel @p3 .LBB2_9-.Ltmp3, $4  }
0x18f: {  	[tilespmem:s15+$0xFFFFFFE0] =	vst v5;
	v2 =	vld.idx.msk [tilespmem:v11+s4+$0x0], $0xffff  }
0x190: {  	[tilespmem:s15+$0xFFFFFFF0] =	vst v7;
	v3 =	vld.idx.msk [tilespmem:v12+s4+$0x0], $0xffff  }
0x191: {  	[tilespmem:s15+$0xFFFFFF80] =	vst v14;
	v4 =	vld.idx.msk [tilespmem:v13+s4+$0x0], $0xffff  }
0x192: {  	s3 =	sadd.s32 $0x100, s3;
	[tilespmem:s15+$0x0] =	vst v8;
	v5 =	vld.idx.msk [tilespmem:v6+s4+$0x0], $0xffff  }
0x193: {  	[tilespmem:s15+$0x10] =	vst v0  }
0x194: {  	[tilespmem:s15+$0x20] =	vst v1  }
0x195: {  	[tilespmem:s15+$0x30] =	vst v2  }
0x196: {  	s3 =	sadd.s32 $0x60000, s24;
	[tilespmem:s15+$0x40] =	vst v3  }
0x197: {  	s3 =	sshrl.u32 s3, $0x3;
	[tilespmem:s15+$0x50] =	vst v4  }
0x198: {  	s3 =	sadd.s32 s2, s3;
	[tilespmem:s15+$0x60] =	vst v5  }
0x199: {  	[hbm4b:s3+s30] =	stream.strided.scatter [tilespmem:s0], [sflag:$0x4], $0x1000, s31, s30, $0x38;
	[tilespmem:$0x1ED00] =	vst v63  }
0x19a: {  	s3 =	simm.s32 @!p0 $0x7  }
0x19b: {  	s5 =	sadd.s32 @p2 $0x9, s23;
	s14 =	stileid.u32;
	_ =	swait.ge @!p0 [sflag:s3], $0x200  }
0x19c: {  	s20 =	simm.s32 @p2 $0x10;
	s25 =	simm.s32 @p2 $0x80;
	[sflag:s3] =	ssyncset.done @!p0 $0x0  }
0x19d: {  	s14 =	sshll.u32 @p2 s14, $0x6;
	[sflag:s3] =	ssyncadd.s32 @!p0 $0xFFFFFE00;
	s3 =	sshll.u32 @p2 s5, $0x4  }
0x19e: {  	s15 =	sor.u32 @p2 $0x1C07, s14;
	s5 =	sshll.u32 @p2 s5, $0x9;
	s3 =	sand.u32 @p2 $0x70, s3  }
0x19f: {  	s14 =	simm.s32 @p2 $0x1;
	s5 =	sand.u32 @p2 $0x7F000, s5;
	s3 =	sadd.s32 @p2 s1, s3  }
0x1a0: {  	[bflag:$0x0] =	sbarrier.arrive $0xFFFF;
	s3 =	sadd.s32 @p2 s5, s3;
	s5 =	sshrl.u32 @p2 s10, $0x3  }
0x1a1: {  	[spmem:s5@s20], [sflag:s15] =	dma.strided @p2 [hbm:s3@s25], $0x200, s14, $0x10   }
0x1a2: {  	[tilespmem:s28], [sflag:$0x1] =	stream.linear.gather [spmem:s26], $0x1000, $0x38;
	[tilespmem:$0x1ED00] =	vst v63  }
0x1a3: {  	_ =	swait.ge [sflag:s7], $0x1000  }
0x1a4: {  	[sflag:s7] =	ssyncset.done $0x0  }
0x1a5: {  	[sflag:s7] =	ssyncadd.s32 $0xFFFFF000  }
0x1a6: {  	_ =	swait.ge [sflag:s17], $0x1000  }
0x1a7: {  	[sflag:s17] =	ssyncset.done $0x0  }
0x1a8: {  	s25 =	smov.u32 s26;
	s26 =	simm.s32 $0x19780;
	[sflag:s17] =	ssyncadd.s32 $0xFFFFF000  }
0x1a9: {  	v0 =	vld [tilespmem:s26+$0x70]  }
0x1aa: {  	v1 =	vld [tilespmem:s26+$0xFFFFFF90]  }
0x1ab: {  	v2 =	vld [tilespmem:s26+$0xFFFFFFA0]  }
0x1ac: {  	v3 =	vld [tilespmem:s26+$0xFFFFFFB0]  }
0x1ad: {  	v4 =	vld [tilespmem:s26+$0xFFFFFFC0]  }
0x1ae: {  	v5 =	vld [tilespmem:s26+$0xFFFFFFD0]  }
0x1af: {  	v6 =	vld [tilespmem:s26+$0xFFFFFFE0]  }
0x1b0: {  	v7 =	vld [tilespmem:s26+$0xFFFFFFF0]  }
0x1b1: {  	v8 =	vld [tilespmem:s26+$0x0]  }
0x1b2: {  	v9 =	vld [tilespmem:s26+$0x10]  }
0x1b3: {  	v10 =	vld [tilespmem:s26+$0x20]  }
0x1b4: {  	v11 =	vld [tilespmem:s26+$0x30]  }
0x1b5: {  	v12 =	vld [tilespmem:s26+$0x40]  }
0x1b6: {  	v13 =	vld [tilespmem:s26+$0x50]  }
0x1b7: {  	v14 =	vld [tilespmem:s26+$0x60]  }
0x1b8: {  	v15 =	vld [tilespmem:s26+$0xFFFFFF80]  }
0x1b9: {  	v0 =	vld.idx.msk [tilespmem:v0+s4+$0x0], $0xffff  }
0x1ba: {  	v1 =	vld.idx.msk [tilespmem:v1+s4+$0x0], $0xffff  }
0x1bb: {  	v2 =	vld.idx.msk [tilespmem:v2+s4+$0x0], $0xffff  }
0x1bc: {  	v3 =	vld.idx.msk [tilespmem:v3+s4+$0x0], $0xffff  }
0x1bd: {  	v4 =	vld.idx.msk [tilespmem:v4+s4+$0x0], $0xffff  }
0x1be: {  	s20 =	simm.s32 $0x1C780;
	v5 =	vld.idx.msk [tilespmem:v5+s4+$0x0], $0xffff  }
0x1bf: {  	v6 =	vld.idx.msk [tilespmem:v6+s4+$0x0], $0xffff;
	[tilespmem:s20+$0x70] =	vst v0  }
0x1c0: {  	v7 =	vld.idx.msk [tilespmem:v7+s4+$0x0], $0xffff;
	[tilespmem:s20+$0xFFFFFF90] =	vst v1  }
0x1c1: {  	v15 =	vld.idx.msk [tilespmem:v15+s4+$0x0], $0xffff;
	[tilespmem:s20+$0xFFFFFFA0] =	vst v2  }
0x1c2: {  	v8 =	vld.idx.msk [tilespmem:v8+s4+$0x0], $0xffff;
	[tilespmem:s20+$0xFFFFFFB0] =	vst v3  }
0x1c3: {  	[tilespmem:s20+$0xFFFFFFC0] =	vst v4;
	v0 =	vld.idx.msk [tilespmem:v9+s4+$0x0], $0xffff  }
0x1c4: {  	[tilespmem:s20+$0xFFFFFFD0] =	vst v5;
	v1 =	vld.idx.msk [tilespmem:v10+s4+$0x0], $0xffff  }
0x1c5: {  	[tilespmem:s20+$0xFFFFFFE0] =	vst v6;
	v2 =	vld.idx.msk [tilespmem:v11+s4+$0x0], $0xffff  }
0x1c6: {  	[tilespmem:s20+$0xFFFFFFF0] =	vst v7;
	v3 =	vld.idx.msk [tilespmem:v12+s4+$0x0], $0xffff  }
0x1c7: {  	[tilespmem:s20+$0xFFFFFF80] =	vst v15;
	v4 =	vld.idx.msk [tilespmem:v13+s4+$0x0], $0xffff  }
0x1c8: {  	s5 =	simm.s32 $0x0;
	s3 =	simm.s32 $0x19880;
	[tilespmem:s20+$0x0] =	vst v8;
	v5 =	vld.idx.msk [tilespmem:v14+s4+$0x0], $0xffff  }
.LBB2_11:
0x1c9: {  	v6 =	vld [tilespmem:s3+$0x70];
	s5 =	sadd.s32 $0x10, s5;
	[tilespmem:s20+$0x10] =	vst v0  }
0x1ca: {  	v0 =	vld [tilespmem:s3+$0xFFFFFF90];
	p3 =	slt.u32 s5, $0xF0;
	[tilespmem:s20+$0x20] =	vst v1  }
0x1cb: {  	v1 =	vld [tilespmem:s3+$0xFFFFFFA0];
	[tilespmem:s20+$0x30] =	vst v2  }
0x1cc: {  	v2 =	vld [tilespmem:s3+$0xFFFFFFB0];
	[tilespmem:s20+$0x40] =	vst v3  }
0x1cd: {  	v3 =	vld [tilespmem:s3+$0xFFFFFFC0];
	[tilespmem:s20+$0x50] =	vst v4  }
0x1ce: {  	v4 =	vld [tilespmem:s3+$0xFFFFFFD0];
	[tilespmem:s20+$0x60] =	vst v5  }
0x1cf: {  	v5 =	vld [tilespmem:s3+$0xFFFFFFE0]  }
0x1d0: {  	v7 =	vld [tilespmem:s3+$0xFFFFFFF0]  }
0x1d1: {  	v6 =	vld.idx.msk [tilespmem:v6+s4+$0x0], $0xffff  }
0x1d2: {  	v8 =	vld [tilespmem:s3+$0x0]  }
0x1d3: {  	v9 =	vld [tilespmem:s3+$0x10]  }
0x1d4: {  	v10 =	vld [tilespmem:s3+$0x20]  }
0x1d5: {  	v11 =	vld [tilespmem:s3+$0x30]  }
0x1d6: {  	s20 =	sadd.s32 $0x100, s20;
	v12 =	vld [tilespmem:s3+$0x40]  }
0x1d7: {  	v13 =	vld [tilespmem:s3+$0x50];
	[tilespmem:s20+$0x70] =	vst v6  }
0x1d8: {  	v6 =	vld [tilespmem:s3+$0x60]  }
0x1d9: {  	v14 =	vld [tilespmem:s3+$0xFFFFFF80]  }
0x1da: {  	v0 =	vld.idx.msk [tilespmem:v0+s4+$0x0], $0xffff  }
0x1db: {  	v1 =	vld.idx.msk [tilespmem:v1+s4+$0x0], $0xffff  }
0x1dc: {  	v2 =	vld.idx.msk [tilespmem:v2+s4+$0x0], $0xffff  }
0x1dd: {  	v3 =	vld.idx.msk [tilespmem:v3+s4+$0x0], $0xffff  }
0x1de: {  	v4 =	vld.idx.msk [tilespmem:v4+s4+$0x0], $0xffff  }
0x1df: {  	v5 =	vld.idx.msk [tilespmem:v5+s4+$0x0], $0xffff  }
0x1e0: {  	[tilespmem:s20+$0xFFFFFF90] =	vst v0;
	v7 =	vld.idx.msk [tilespmem:v7+s4+$0x0], $0xffff  }
0x1e1: {  	v14 =	vld.idx.msk [tilespmem:v14+s4+$0x0], $0xffff;
	[tilespmem:s20+$0xFFFFFFA0] =	vst v1  }
0x1e2: {  	[tilespmem:s20+$0xFFFFFFB0] =	vst v2;
	v8 =	vld.idx.msk [tilespmem:v8+s4+$0x0], $0xffff  }
0x1e3: {  	[tilespmem:s20+$0xFFFFFFC0] =	vst v3;
	v0 =	vld.idx.msk [tilespmem:v9+s4+$0x0], $0xffff  }
.Ltmp4:
0x1e4: {  	[tilespmem:s20+$0xFFFFFFD0] =	vst v4;
	v1 =	vld.idx.msk [tilespmem:v10+s4+$0x0], $0xffff;
	(pc) =	sbr.rel @p3 .LBB2_11-.Ltmp4, $4  }
0x1e5: {  	[tilespmem:s20+$0xFFFFFFE0] =	vst v5;
	v2 =	vld.idx.msk [tilespmem:v11+s4+$0x0], $0xffff  }
0x1e6: {  	[tilespmem:s20+$0xFFFFFFF0] =	vst v7;
	v3 =	vld.idx.msk [tilespmem:v12+s4+$0x0], $0xffff  }
0x1e7: {  	[tilespmem:s20+$0xFFFFFF80] =	vst v14;
	v4 =	vld.idx.msk [tilespmem:v13+s4+$0x0], $0xffff  }
0x1e8: {  	s3 =	sadd.s32 $0x100, s3;
	[tilespmem:s20+$0x0] =	vst v8;
	v5 =	vld.idx.msk [tilespmem:v6+s4+$0x0], $0xffff  }
0x1e9: {  	[tilespmem:s20+$0x10] =	vst v0  }
0x1ea: {  	[tilespmem:s20+$0x20] =	vst v1  }
0x1eb: {  	[tilespmem:s20+$0x30] =	vst v2  }
0x1ec: {  	s3 =	sadd.s32 $0x80000, s24;
	[tilespmem:s20+$0x40] =	vst v3  }
0x1ed: {  	s3 =	sshrl.u32 s3, $0x3;
	[tilespmem:s20+$0x50] =	vst v4  }
0x1ee: {  	s3 =	sadd.s32 s2, s3;
	[tilespmem:s20+$0x60] =	vst v5  }
0x1ef: {  	[hbm4b:s3+s30] =	stream.strided.scatter [tilespmem:s9], [sflag:$0x5], $0x1000, s31, s30, $0x38;
	[tilespmem:$0x1ED00] =	vst v63  }
0x1f0: {  	s5 =	sadd.s32 @p2 $0xA, s23;
	s3 =	simm.s32 @!p0 $0x7  }
0x1f1: {  	s23 =	simm.s32 @p2 $0x80;
	s24 =	simm.s32 $0x19700;
	_ =	swait.ge @!p0 [sflag:s3], $0x200  }
0x1f2: {  	s14 =	sshll.u32 @p2 s5, $0x4;
	s5 =	sshll.u32 @p2 s5, $0x9;
	[sflag:s3] =	ssyncset.done @!p0 $0x0  }
0x1f3: {  	s14 =	sand.u32 @p2 $0x60, s14;
	s20 =	simm.s32 @p2 $0x10;
	[sflag:s3] =	ssyncadd.s32 @!p0 $0xFFFFFE00  }
0x1f4: {  	s3 =	sand.u32 @p2 $0x7F000, s5;
	s5 =	sadd.s32 @p2 s1, s14;
	s14 =	simm.s32 @p2 $0x1  }
0x1f5: {  	[bflag:$0x0] =	sbarrier.arrive $0xFFFF;
	s3 =	sadd.s32 @p2 s3, s5;
	s5 =	sshrl.u32 @p2 s12, $0x3  }
0x1f6: {  	[spmem:s5@s20], [sflag:s15] =	dma.strided @p2 [hbm:s3@s23], $0x200, s14, $0x10   }
0x1f7: {  	[tilespmem:s24], [sflag:$0x2] =	stream.linear.gather [spmem:s6], $0x1000, $0x38;
	[tilespmem:$0x1ED00] =	vst v63  }
0x1f8: {  	_ =	swait.ge [sflag:s11], $0x1000  }
0x1f9: {  	[sflag:s11] =	ssyncset.done $0x0  }
0x1fa: {  	[sflag:s11] =	ssyncadd.s32 $0xFFFFF000  }
0x1fb: {  	_ =	swait.ge [sflag:s18], $0x1000  }
0x1fc: {  	[sflag:s18] =	ssyncset.done $0x0  }
0x1fd: {  	s26 =	simm.s32 $0x1A780;
	[sflag:s18] =	ssyncadd.s32 $0xFFFFF000  }
0x1fe: {  	v0 =	vld [tilespmem:s26+$0x70]  }
0x1ff: {  	v1 =	vld [tilespmem:s26+$0xFFFFFF90]  }
0x200: {  	v2 =	vld [tilespmem:s26+$0xFFFFFFA0]  }
0x201: {  	v3 =	vld [tilespmem:s26+$0xFFFFFFB0]  }
0x202: {  	v4 =	vld [tilespmem:s26+$0xFFFFFFC0]  }
0x203: {  	v5 =	vld [tilespmem:s26+$0xFFFFFFD0]  }
0x204: {  	v6 =	vld [tilespmem:s26+$0xFFFFFFE0]  }
0x205: {  	v7 =	vld [tilespmem:s26+$0xFFFFFFF0]  }
0x206: {  	v8 =	vld [tilespmem:s26+$0x0]  }
0x207: {  	v9 =	vld [tilespmem:s26+$0x10]  }
0x208: {  	v10 =	vld [tilespmem:s26+$0x20]  }
0x209: {  	v11 =	vld [tilespmem:s26+$0x30]  }
0x20a: {  	v12 =	vld [tilespmem:s26+$0x40]  }
0x20b: {  	v13 =	vld [tilespmem:s26+$0x50]  }
0x20c: {  	v14 =	vld [tilespmem:s26+$0x60]  }
0x20d: {  	v15 =	vld [tilespmem:s26+$0xFFFFFF80]  }
0x20e: {  	v0 =	vld.idx.msk [tilespmem:v0+s4+$0x0], $0xffff  }
0x20f: {  	v1 =	vld.idx.msk [tilespmem:v1+s4+$0x0], $0xffff  }
0x210: {  	v2 =	vld.idx.msk [tilespmem:v2+s4+$0x0], $0xffff  }
0x211: {  	v3 =	vld.idx.msk [tilespmem:v3+s4+$0x0], $0xffff  }
0x212: {  	v4 =	vld.idx.msk [tilespmem:v4+s4+$0x0], $0xffff  }
0x213: {  	s15 =	simm.s32 $0x1D780;
	v5 =	vld.idx.msk [tilespmem:v5+s4+$0x0], $0xffff  }
0x214: {  	v6 =	vld.idx.msk [tilespmem:v6+s4+$0x0], $0xffff;
	[tilespmem:s15+$0x70] =	vst v0  }
0x215: {  	v7 =	vld.idx.msk [tilespmem:v7+s4+$0x0], $0xffff;
	[tilespmem:s15+$0xFFFFFF90] =	vst v1  }
0x216: {  	v15 =	vld.idx.msk [tilespmem:v15+s4+$0x0], $0xffff;
	[tilespmem:s15+$0xFFFFFFA0] =	vst v2  }
0x217: {  	v8 =	vld.idx.msk [tilespmem:v8+s4+$0x0], $0xffff;
	[tilespmem:s15+$0xFFFFFFB0] =	vst v3  }
0x218: {  	[tilespmem:s15+$0xFFFFFFC0] =	vst v4;
	v0 =	vld.idx.msk [tilespmem:v9+s4+$0x0], $0xffff  }
0x219: {  	[tilespmem:s15+$0xFFFFFFD0] =	vst v5;
	v1 =	vld.idx.msk [tilespmem:v10+s4+$0x0], $0xffff  }
0x21a: {  	[tilespmem:s15+$0xFFFFFFE0] =	vst v6;
	v2 =	vld.idx.msk [tilespmem:v11+s4+$0x0], $0xffff  }
0x21b: {  	[tilespmem:s15+$0xFFFFFFF0] =	vst v7;
	v3 =	vld.idx.msk [tilespmem:v12+s4+$0x0], $0xffff  }
0x21c: {  	[tilespmem:s15+$0xFFFFFF80] =	vst v15;
	v4 =	vld.idx.msk [tilespmem:v13+s4+$0x0], $0xffff  }
0x21d: {  	s5 =	simm.s32 $0x0;
	s3 =	simm.s32 $0x1A880;
	[tilespmem:s15+$0x0] =	vst v8;
	v5 =	vld.idx.msk [tilespmem:v14+s4+$0x0], $0xffff  }
.LBB2_13:
0x21e: {  	v6 =	vld [tilespmem:s3+$0x70];
	s5 =	sadd.s32 $0x10, s5;
	[tilespmem:s15+$0x10] =	vst v0  }
0x21f: {  	v0 =	vld [tilespmem:s3+$0xFFFFFF90];
	p2 =	slt.u32 s5, $0xF0;
	[tilespmem:s15+$0x20] =	vst v1  }
0x220: {  	v1 =	vld [tilespmem:s3+$0xFFFFFFA0];
	[tilespmem:s15+$0x30] =	vst v2  }
0x221: {  	v2 =	vld [tilespmem:s3+$0xFFFFFFB0];
	[tilespmem:s15+$0x40] =	vst v3  }
0x222: {  	v3 =	vld [tilespmem:s3+$0xFFFFFFC0];
	[tilespmem:s15+$0x50] =	vst v4  }
0x223: {  	v4 =	vld [tilespmem:s3+$0xFFFFFFD0];
	[tilespmem:s15+$0x60] =	vst v5  }
0x224: {  	v5 =	vld [tilespmem:s3+$0xFFFFFFE0]  }
0x225: {  	v7 =	vld [tilespmem:s3+$0xFFFFFFF0]  }
0x226: {  	v6 =	vld.idx.msk [tilespmem:v6+s4+$0x0], $0xffff  }
0x227: {  	v8 =	vld [tilespmem:s3+$0x0]  }
0x228: {  	v9 =	vld [tilespmem:s3+$0x10]  }
0x229: {  	v10 =	vld [tilespmem:s3+$0x20]  }
0x22a: {  	v11 =	vld [tilespmem:s3+$0x30]  }
0x22b: {  	s15 =	sadd.s32 $0x100, s15;
	v12 =	vld [tilespmem:s3+$0x40]  }
0x22c: {  	v13 =	vld [tilespmem:s3+$0x50];
	[tilespmem:s15+$0x70] =	vst v6  }
0x22d: {  	v6 =	vld [tilespmem:s3+$0x60]  }
0x22e: {  	v14 =	vld [tilespmem:s3+$0xFFFFFF80]  }
0x22f: {  	v0 =	vld.idx.msk [tilespmem:v0+s4+$0x0], $0xffff  }
0x230: {  	v1 =	vld.idx.msk [tilespmem:v1+s4+$0x0], $0xffff  }
0x231: {  	v2 =	vld.idx.msk [tilespmem:v2+s4+$0x0], $0xffff  }
0x232: {  	v3 =	vld.idx.msk [tilespmem:v3+s4+$0x0], $0xffff  }
0x233: {  	v4 =	vld.idx.msk [tilespmem:v4+s4+$0x0], $0xffff  }
0x234: {  	v5 =	vld.idx.msk [tilespmem:v5+s4+$0x0], $0xffff  }
0x235: {  	[tilespmem:s15+$0xFFFFFF90] =	vst v0;
	v7 =	vld.idx.msk [tilespmem:v7+s4+$0x0], $0xffff  }
0x236: {  	v14 =	vld.idx.msk [tilespmem:v14+s4+$0x0], $0xffff;
	[tilespmem:s15+$0xFFFFFFA0] =	vst v1  }
0x237: {  	[tilespmem:s15+$0xFFFFFFB0] =	vst v2;
	v8 =	vld.idx.msk [tilespmem:v8+s4+$0x0], $0xffff  }
0x238: {  	[tilespmem:s15+$0xFFFFFFC0] =	vst v3;
	v0 =	vld.idx.msk [tilespmem:v9+s4+$0x0], $0xffff  }
.Ltmp5:
0x239: {  	[tilespmem:s15+$0xFFFFFFD0] =	vst v4;
	v1 =	vld.idx.msk [tilespmem:v10+s4+$0x0], $0xffff;
	(pc) =	sbr.rel @p2 .LBB2_13-.Ltmp5, $4  }
0x23a: {  	[tilespmem:s15+$0xFFFFFFE0] =	vst v5;
	v2 =	vld.idx.msk [tilespmem:v11+s4+$0x0], $0xffff  }
0x23b: {  	[tilespmem:s15+$0xFFFFFFF0] =	vst v7;
	v3 =	vld.idx.msk [tilespmem:v12+s4+$0x0], $0xffff  }
0x23c: {  	[tilespmem:s15+$0xFFFFFF80] =	vst v14;
	v4 =	vld.idx.msk [tilespmem:v13+s4+$0x0], $0xffff  }
0x23d: {  	s3 =	sadd.s32 $0x100, s3;
	[tilespmem:s15+$0x0] =	vst v8;
	v5 =	vld.idx.msk [tilespmem:v6+s4+$0x0], $0xffff  }
0x23e: {  	[tilespmem:s15+$0x10] =	vst v0;
	s21 =	sadd.s32 $0x1, s21  }
0x23f: {  	[tilespmem:s15+$0x20] =	vst v1;
	p2 =	sne.s32 s21, $0x21  }
.Ltmp6:
0x240: {  	s3 =	sshll.u32 s22, $0x11;
	[tilespmem:s15+$0x30] =	vst v2;
	(pc) =	sbr.rel @p2 .LBB2_2-.Ltmp6, $4  }
0x241: {  	s3 =	sor.u32 s13, s3;
	[tilespmem:s15+$0x40] =	vst v3  }
0x242: {  	s3 =	sshrl.u32 s3, $0x3;
	[tilespmem:s15+$0x50] =	vst v4  }
0x243: {  	s5 =	simm.s32 $0x1D700;
	s3 =	sadd.s32 s2, s3;
	[tilespmem:s15+$0x60] =	vst v5  }
0x244: {  	[hbm4b:s3+s30] =	stream.strided.scatter [tilespmem:s5], [sflag:$0x6], $0x1000, s31, s30, $0x38;
	[tilespmem:$0x1ED00] =	vst v63  }
0x245: {  	[bflag:$0x0] =	sbarrier.arrive $0xFFFF  }
0x246: {  	_ =	swait.ge [sflag:s29], $0x1000  }
0x247: {  	[sflag:s29] =	ssyncset.done $0x0  }
0x248: {  	[sflag:s29] =	ssyncadd.s32 $0xFFFFF000  }
0x249: {  	_ =	swait.ge [sflag:s16], $0x1000  }
0x24a: {  	[sflag:s16] =	ssyncset.done $0x0  }
0x24b: {  	s3 =	simm.s32 $0x18780;
	[sflag:s16] =	ssyncadd.s32 $0xFFFFF000  }
0x24c: {  	v0 =	vld [tilespmem:s3+$0x70]  }
0x24d: {  	v1 =	vld [tilespmem:s3+$0xFFFFFF90]  }
0x24e: {  	v2 =	vld [tilespmem:s3+$0xFFFFFFA0]  }
0x24f: {  	v3 =	vld [tilespmem:s3+$0xFFFFFFB0]  }
0x250: {  	v4 =	vld [tilespmem:s3+$0xFFFFFFC0]  }
0x251: {  	v5 =	vld [tilespmem:s3+$0xFFFFFFD0]  }
0x252: {  	v6 =	vld [tilespmem:s3+$0xFFFFFFE0]  }
0x253: {  	v7 =	vld [tilespmem:s3+$0xFFFFFFF0]  }
0x254: {  	v8 =	vld [tilespmem:s3+$0x0]  }
0x255: {  	v9 =	vld [tilespmem:s3+$0x10]  }
0x256: {  	v10 =	vld [tilespmem:s3+$0x20]  }
0x257: {  	v11 =	vld [tilespmem:s3+$0x30]  }
0x258: {  	v12 =	vld [tilespmem:s3+$0x40]  }
0x259: {  	v13 =	vld [tilespmem:s3+$0x50]  }
0x25a: {  	v14 =	vld [tilespmem:s3+$0x60]  }
0x25b: {  	v15 =	vld [tilespmem:s3+$0xFFFFFF80]  }
0x25c: {  	v0 =	vld.idx.msk [tilespmem:v0+s4+$0x0], $0xffff  }
0x25d: {  	v1 =	vld.idx.msk [tilespmem:v1+s4+$0x0], $0xffff  }
0x25e: {  	v2 =	vld.idx.msk [tilespmem:v2+s4+$0x0], $0xffff  }
0x25f: {  	v3 =	vld.idx.msk [tilespmem:v3+s4+$0x0], $0xffff  }
0x260: {  	v4 =	vld.idx.msk [tilespmem:v4+s4+$0x0], $0xffff  }
0x261: {  	s15 =	simm.s32 $0x1B780;
	v5 =	vld.idx.msk [tilespmem:v5+s4+$0x0], $0xffff  }
0x262: {  	v6 =	vld.idx.msk [tilespmem:v6+s4+$0x0], $0xffff;
	[tilespmem:s15+$0x70] =	vst v0  }
0x263: {  	v7 =	vld.idx.msk [tilespmem:v7+s4+$0x0], $0xffff;
	[tilespmem:s15+$0xFFFFFF90] =	vst v1  }
0x264: {  	v15 =	vld.idx.msk [tilespmem:v15+s4+$0x0], $0xffff;
	[tilespmem:s15+$0xFFFFFFA0] =	vst v2  }
0x265: {  	v8 =	vld.idx.msk [tilespmem:v8+s4+$0x0], $0xffff;
	[tilespmem:s15+$0xFFFFFFB0] =	vst v3  }
0x266: {  	[tilespmem:s15+$0xFFFFFFC0] =	vst v4;
	v0 =	vld.idx.msk [tilespmem:v9+s4+$0x0], $0xffff  }
0x267: {  	[tilespmem:s15+$0xFFFFFFD0] =	vst v5;
	v1 =	vld.idx.msk [tilespmem:v10+s4+$0x0], $0xffff  }
0x268: {  	[tilespmem:s15+$0xFFFFFFE0] =	vst v6;
	v2 =	vld.idx.msk [tilespmem:v11+s4+$0x0], $0xffff  }
0x269: {  	[tilespmem:s15+$0xFFFFFFF0] =	vst v7;
	v3 =	vld.idx.msk [tilespmem:v12+s4+$0x0], $0xffff  }
0x26a: {  	[tilespmem:s15+$0xFFFFFF80] =	vst v15;
	v4 =	vld.idx.msk [tilespmem:v13+s4+$0x0], $0xffff  }
0x26b: {  	s5 =	simm.s32 $0x0;
	s3 =	simm.s32 $0x18880;
	[tilespmem:s15+$0x0] =	vst v8;
	v5 =	vld.idx.msk [tilespmem:v14+s4+$0x0], $0xffff  }
.LBB2_16:
0x26c: {  	v6 =	vld [tilespmem:s3+$0x70];
	s5 =	sadd.s32 $0x10, s5;
	[tilespmem:s15+$0x10] =	vst v0  }
0x26d: {  	v0 =	vld [tilespmem:s3+$0xFFFFFF90];
	p2 =	slt.u32 s5, $0xF0;
	[tilespmem:s15+$0x20] =	vst v1  }
0x26e: {  	v1 =	vld [tilespmem:s3+$0xFFFFFFA0];
	[tilespmem:s15+$0x30] =	vst v2  }
0x26f: {  	v2 =	vld [tilespmem:s3+$0xFFFFFFB0];
	[tilespmem:s15+$0x40] =	vst v3  }
0x270: {  	v3 =	vld [tilespmem:s3+$0xFFFFFFC0];
	[tilespmem:s15+$0x50] =	vst v4  }
0x271: {  	v4 =	vld [tilespmem:s3+$0xFFFFFFD0];
	[tilespmem:s15+$0x60] =	vst v5  }
0x272: {  	v5 =	vld [tilespmem:s3+$0xFFFFFFE0]  }
0x273: {  	v7 =	vld [tilespmem:s3+$0xFFFFFFF0]  }
0x274: {  	v6 =	vld.idx.msk [tilespmem:v6+s4+$0x0], $0xffff  }
0x275: {  	v8 =	vld [tilespmem:s3+$0x0]  }
0x276: {  	v9 =	vld [tilespmem:s3+$0x10]  }
0x277: {  	v10 =	vld [tilespmem:s3+$0x20]  }
0x278: {  	v11 =	vld [tilespmem:s3+$0x30]  }
0x279: {  	s15 =	sadd.s32 $0x100, s15;
	v12 =	vld [tilespmem:s3+$0x40]  }
0x27a: {  	v13 =	vld [tilespmem:s3+$0x50];
	[tilespmem:s15+$0x70] =	vst v6  }
0x27b: {  	v6 =	vld [tilespmem:s3+$0x60]  }
0x27c: {  	v14 =	vld [tilespmem:s3+$0xFFFFFF80]  }
0x27d: {  	v0 =	vld.idx.msk [tilespmem:v0+s4+$0x0], $0xffff  }
0x27e: {  	v1 =	vld.idx.msk [tilespmem:v1+s4+$0x0], $0xffff  }
0x27f: {  	v2 =	vld.idx.msk [tilespmem:v2+s4+$0x0], $0xffff  }
0x280: {  	v3 =	vld.idx.msk [tilespmem:v3+s4+$0x0], $0xffff  }
0x281: {  	v4 =	vld.idx.msk [tilespmem:v4+s4+$0x0], $0xffff  }
0x282: {  	v5 =	vld.idx.msk [tilespmem:v5+s4+$0x0], $0xffff  }
0x283: {  	[tilespmem:s15+$0xFFFFFF90] =	vst v0;
	v7 =	vld.idx.msk [tilespmem:v7+s4+$0x0], $0xffff  }
0x284: {  	v14 =	vld.idx.msk [tilespmem:v14+s4+$0x0], $0xffff;
	[tilespmem:s15+$0xFFFFFFA0] =	vst v1  }
0x285: {  	[tilespmem:s15+$0xFFFFFFB0] =	vst v2;
	v8 =	vld.idx.msk [tilespmem:v8+s4+$0x0], $0xffff  }
0x286: {  	[tilespmem:s15+$0xFFFFFFC0] =	vst v3;
	v0 =	vld.idx.msk [tilespmem:v9+s4+$0x0], $0xffff  }
.Ltmp7:
0x287: {  	[tilespmem:s15+$0xFFFFFFD0] =	vst v4;
	v1 =	vld.idx.msk [tilespmem:v10+s4+$0x0], $0xffff;
	(pc) =	sbr.rel @p2 .LBB2_16-.Ltmp7, $4  }
0x288: {  	[tilespmem:s15+$0xFFFFFFE0] =	vst v5;
	v2 =	vld.idx.msk [tilespmem:v11+s4+$0x0], $0xffff  }
0x289: {  	[tilespmem:s15+$0xFFFFFFF0] =	vst v7;
	v3 =	vld.idx.msk [tilespmem:v12+s4+$0x0], $0xffff  }
0x28a: {  	[tilespmem:s15+$0xFFFFFF80] =	vst v14;
	v4 =	vld.idx.msk [tilespmem:v13+s4+$0x0], $0xffff  }
0x28b: {  	s3 =	sadd.s32 $0x100, s3;
	[tilespmem:s15+$0x0] =	vst v8;
	v5 =	vld.idx.msk [tilespmem:v6+s4+$0x0], $0xffff  }
0x28c: {  	[tilespmem:s15+$0x10] =	vst v0  }
0x28d: {  	[tilespmem:s15+$0x20] =	vst v1  }
0x28e: {  	[tilespmem:s15+$0x30] =	vst v2  }
0x28f: {  	[tilespmem:s15+$0x40] =	vst v3  }
0x290: {  	[tilespmem:s15+$0x50] =	vst v4  }
0x291: {  	[tilespmem:s15+$0x60] =	vst v5  }
0x292: {  	s3 =	rddreg [dreg:$0xa]  }
0x293: {  	[hbm4b:s3+s30] =	stream.strided.scatter [tilespmem:s0], [sflag:$0x4], $0x1000, s31, s30, $0x38;
	[tilespmem:$0x1ED00] =	vst v63  }
0x294: {  	[bflag:$0x0] =	sbarrier.arrive $0xFFFF  }
0x295: {  	_ =	swait.ge [sflag:s7], $0x1000  }
0x296: {  	[sflag:s7] =	ssyncset.done $0x0  }
0x297: {  	[sflag:s7] =	ssyncadd.s32 $0xFFFFF000  }
0x298: {  	_ =	swait.ge [sflag:s17], $0x1000  }
0x299: {  	[sflag:s17] =	ssyncset.done $0x0  }
0x29a: {  	s26 =	simm.s32 $0x19780;
	[sflag:s17] =	ssyncadd.s32 $0xFFFFF000  }
0x29b: {  	v0 =	vld [tilespmem:s26+$0x70]  }
0x29c: {  	v1 =	vld [tilespmem:s26+$0xFFFFFF90]  }
0x29d: {  	v2 =	vld [tilespmem:s26+$0xFFFFFFA0]  }
0x29e: {  	v3 =	vld [tilespmem:s26+$0xFFFFFFB0]  }
0x29f: {  	v4 =	vld [tilespmem:s26+$0xFFFFFFC0]  }
0x2a0: {  	v5 =	vld [tilespmem:s26+$0xFFFFFFD0]  }
0x2a1: {  	v6 =	vld [tilespmem:s26+$0xFFFFFFE0]  }
0x2a2: {  	v7 =	vld [tilespmem:s26+$0xFFFFFFF0]  }
0x2a3: {  	v8 =	vld [tilespmem:s26+$0x0]  }
0x2a4: {  	v9 =	vld [tilespmem:s26+$0x10]  }
0x2a5: {  	v10 =	vld [tilespmem:s26+$0x20]  }
0x2a6: {  	v11 =	vld [tilespmem:s26+$0x30]  }
0x2a7: {  	v12 =	vld [tilespmem:s26+$0x40]  }
0x2a8: {  	v13 =	vld [tilespmem:s26+$0x50]  }
0x2a9: {  	v14 =	vld [tilespmem:s26+$0x60]  }
0x2aa: {  	v15 =	vld [tilespmem:s26+$0xFFFFFF80]  }
0x2ab: {  	v0 =	vld.idx.msk [tilespmem:v0+s4+$0x0], $0xffff  }
0x2ac: {  	v1 =	vld.idx.msk [tilespmem:v1+s4+$0x0], $0xffff  }
0x2ad: {  	v2 =	vld.idx.msk [tilespmem:v2+s4+$0x0], $0xffff  }
0x2ae: {  	v3 =	vld.idx.msk [tilespmem:v3+s4+$0x0], $0xffff  }
0x2af: {  	v4 =	vld.idx.msk [tilespmem:v4+s4+$0x0], $0xffff  }
0x2b0: {  	s15 =	simm.s32 $0x1C780;
	v5 =	vld.idx.msk [tilespmem:v5+s4+$0x0], $0xffff  }
0x2b1: {  	v6 =	vld.idx.msk [tilespmem:v6+s4+$0x0], $0xffff;
	[tilespmem:s15+$0x70] =	vst v0  }
0x2b2: {  	v7 =	vld.idx.msk [tilespmem:v7+s4+$0x0], $0xffff;
	[tilespmem:s15+$0xFFFFFF90] =	vst v1  }
0x2b3: {  	v15 =	vld.idx.msk [tilespmem:v15+s4+$0x0], $0xffff;
	[tilespmem:s15+$0xFFFFFFA0] =	vst v2  }
0x2b4: {  	v8 =	vld.idx.msk [tilespmem:v8+s4+$0x0], $0xffff;
	[tilespmem:s15+$0xFFFFFFB0] =	vst v3  }
0x2b5: {  	[tilespmem:s15+$0xFFFFFFC0] =	vst v4;
	v0 =	vld.idx.msk [tilespmem:v9+s4+$0x0], $0xffff  }
0x2b6: {  	[tilespmem:s15+$0xFFFFFFD0] =	vst v5;
	v1 =	vld.idx.msk [tilespmem:v10+s4+$0x0], $0xffff  }
0x2b7: {  	[tilespmem:s15+$0xFFFFFFE0] =	vst v6;
	v2 =	vld.idx.msk [tilespmem:v11+s4+$0x0], $0xffff  }
0x2b8: {  	[tilespmem:s15+$0xFFFFFFF0] =	vst v7;
	v3 =	vld.idx.msk [tilespmem:v12+s4+$0x0], $0xffff  }
0x2b9: {  	[tilespmem:s15+$0xFFFFFF80] =	vst v15;
	v4 =	vld.idx.msk [tilespmem:v13+s4+$0x0], $0xffff  }
0x2ba: {  	s5 =	simm.s32 $0x0;
	s3 =	simm.s32 $0x19880;
	[tilespmem:s15+$0x0] =	vst v8;
	v5 =	vld.idx.msk [tilespmem:v14+s4+$0x0], $0xffff  }
.LBB2_18:
0x2bb: {  	v6 =	vld [tilespmem:s3+$0x70];
	s5 =	sadd.s32 $0x10, s5;
	[tilespmem:s15+$0x10] =	vst v0  }
0x2bc: {  	v0 =	vld [tilespmem:s3+$0xFFFFFF90];
	p2 =	slt.u32 s5, $0xF0;
	[tilespmem:s15+$0x20] =	vst v1  }
0x2bd: {  	v1 =	vld [tilespmem:s3+$0xFFFFFFA0];
	[tilespmem:s15+$0x30] =	vst v2  }
0x2be: {  	v2 =	vld [tilespmem:s3+$0xFFFFFFB0];
	[tilespmem:s15+$0x40] =	vst v3  }
0x2bf: {  	v3 =	vld [tilespmem:s3+$0xFFFFFFC0];
	[tilespmem:s15+$0x50] =	vst v4  }
0x2c0: {  	v4 =	vld [tilespmem:s3+$0xFFFFFFD0];
	[tilespmem:s15+$0x60] =	vst v5  }
0x2c1: {  	v5 =	vld [tilespmem:s3+$0xFFFFFFE0]  }
0x2c2: {  	v7 =	vld [tilespmem:s3+$0xFFFFFFF0]  }
0x2c3: {  	v6 =	vld.idx.msk [tilespmem:v6+s4+$0x0], $0xffff  }
0x2c4: {  	v8 =	vld [tilespmem:s3+$0x0]  }
0x2c5: {  	v9 =	vld [tilespmem:s3+$0x10]  }
0x2c6: {  	v10 =	vld [tilespmem:s3+$0x20]  }
0x2c7: {  	v11 =	vld [tilespmem:s3+$0x30]  }
0x2c8: {  	s15 =	sadd.s32 $0x100, s15;
	v12 =	vld [tilespmem:s3+$0x40]  }
0x2c9: {  	v13 =	vld [tilespmem:s3+$0x50];
	[tilespmem:s15+$0x70] =	vst v6  }
0x2ca: {  	v6 =	vld [tilespmem:s3+$0x60]  }
0x2cb: {  	v14 =	vld [tilespmem:s3+$0xFFFFFF80]  }
0x2cc: {  	v0 =	vld.idx.msk [tilespmem:v0+s4+$0x0], $0xffff  }
0x2cd: {  	v1 =	vld.idx.msk [tilespmem:v1+s4+$0x0], $0xffff  }
0x2ce: {  	v2 =	vld.idx.msk [tilespmem:v2+s4+$0x0], $0xffff  }
0x2cf: {  	v3 =	vld.idx.msk [tilespmem:v3+s4+$0x0], $0xffff  }
0x2d0: {  	v4 =	vld.idx.msk [tilespmem:v4+s4+$0x0], $0xffff  }
0x2d1: {  	v5 =	vld.idx.msk [tilespmem:v5+s4+$0x0], $0xffff  }
0x2d2: {  	[tilespmem:s15+$0xFFFFFF90] =	vst v0;
	v7 =	vld.idx.msk [tilespmem:v7+s4+$0x0], $0xffff  }
0x2d3: {  	v14 =	vld.idx.msk [tilespmem:v14+s4+$0x0], $0xffff;
	[tilespmem:s15+$0xFFFFFFA0] =	vst v1  }
0x2d4: {  	[tilespmem:s15+$0xFFFFFFB0] =	vst v2;
	v8 =	vld.idx.msk [tilespmem:v8+s4+$0x0], $0xffff  }
0x2d5: {  	[tilespmem:s15+$0xFFFFFFC0] =	vst v3;
	v0 =	vld.idx.msk [tilespmem:v9+s4+$0x0], $0xffff  }
.Ltmp8:
0x2d6: {  	[tilespmem:s15+$0xFFFFFFD0] =	vst v4;
	v1 =	vld.idx.msk [tilespmem:v10+s4+$0x0], $0xffff;
	(pc) =	sbr.rel @p2 .LBB2_18-.Ltmp8, $4  }
0x2d7: {  	[tilespmem:s15+$0xFFFFFFE0] =	vst v5;
	v2 =	vld.idx.msk [tilespmem:v11+s4+$0x0], $0xffff  }
0x2d8: {  	[tilespmem:s15+$0xFFFFFFF0] =	vst v7;
	v3 =	vld.idx.msk [tilespmem:v12+s4+$0x0], $0xffff  }
0x2d9: {  	[tilespmem:s15+$0xFFFFFF80] =	vst v14;
	v4 =	vld.idx.msk [tilespmem:v13+s4+$0x0], $0xffff  }
0x2da: {  	s3 =	sadd.s32 $0x100, s3;
	[tilespmem:s15+$0x0] =	vst v8;
	v5 =	vld.idx.msk [tilespmem:v6+s4+$0x0], $0xffff  }
0x2db: {  	[tilespmem:s15+$0x10] =	vst v0  }
0x2dc: {  	[tilespmem:s15+$0x20] =	vst v1  }
0x2dd: {  	[tilespmem:s15+$0x30] =	vst v2  }
0x2de: {  	[tilespmem:s15+$0x40] =	vst v3  }
0x2df: {  	[tilespmem:s15+$0x50] =	vst v4  }
0x2e0: {  	[tilespmem:s15+$0x60] =	vst v5  }
0x2e1: {  	s3 =	rddreg [dreg:$0xb]  }
0x2e2: {  	[hbm4b:s3+s30] =	stream.strided.scatter [tilespmem:s9], [sflag:$0x5], $0x1000, s31, s30, $0x38;
	[tilespmem:$0x1ED00] =	vst v63  }
0x2e3: {  	_ =	swait.ge [sflag:s18], $0x1000  }
0x2e4: {  	[sflag:s18] =	ssyncset.done $0x0  }
0x2e5: {  	[sflag:s18] =	ssyncadd.s32 $0xFFFFF000  }
0x2e6: {  	_ =	swait.ge [sflag:s16], $0x1000  }
0x2e7: {  	[sflag:s16] =	ssyncset.done $0x0  }
0x2e8: {  	[sflag:s16] =	ssyncadd.s32 $0xFFFFF000  }
0x2e9: {  	_ =	swait.ge [sflag:s17], $0x1000  }
0x2ea: {  	s5 =	rddreg [dreg:$0x12]  }
0x2eb: {  	s26 =	rddreg [dreg:$0xc];
	s5 =	sadd.s32 $0x1, s5  }
0x2ec: {  	p2 =	sne.s32 s5, s26  }
.Ltmp9:
0x2ed: {  	_ = 	snop;
	(pc) =	sbr.rel @p2 .LBB2_1-.Ltmp9, $3  }
0x2ee: {  	_ =	sdelay $0x1  }
0x2ef: {  	[sflag:s17] =	ssyncset.done $0x0  }
0x2f0: {  	[sflag:s17] =	ssyncadd.s32 $0xFFFFF000  }
0x2f1: {  	_ =	sfence.sel $0x180000  }
0x2f2: {  	[bflag:$0x0] =	sbarrier.arrive $0xFFFF  }
0x2f3: {  	_ =	strace $0x90000047  }
0x2f4: {  	[bflag:$0x2] =	sbarrier.arrive $0xFFFF  }
0x2f5: {  	s0 =	rddreg [dreg:$0x4]  }
0x2f6: {  	s0 =	sadd.s32 @!p0 $0x100000, s0  }
0x2f7: {  	[sflag:s0] =	ssyncadd.tile.s32 @!p0 $0x1;
	_ =	shalt  }
.Lfunc_end2:
_tile_overlayer_lowered:
.L_overlay_start_2:
0x2f8: {  	(tag) =	ssettag $0x2  }
0x2f9: {  	s0 =	rddreg [dreg:$0x0];
	s2 =	stileid.u32  }
0x2fa: {  	s1 =	rddreg [dreg:$0x1];
	p0 =	sne.s32 s2, $0x0  }
0x2fb: {  	s3 =	rddreg [dreg:$0x2];
	[bflag:$0x3] =	sbarrier.arrive $0xFFFF;
	s2 =	simm.s32 @!p0 $0x1C08  }
0x2fc: {  	[timem:s3], [sflag:s2] =	dma.local @!p0 [hbm:s0], s1  }
0x2fd: {  	s0 =	simm.s32 @!p0 $0x8  }
0x2fe: {  	_ =	swait.ge @!p0 [sflag:s0], s1  }
0x2ff: {  	s1 =	ssub.s32 @!p0 $0x0, s1;
	[sflag:s0] =	ssyncset.done @!p0 $0x0  }
0x300: {  	[sflag:s0] =	ssyncadd.s32 @!p0 s1  }
0x301: {  	[bflag:$0x3] =	sbarrier.arrive $0xFFFF  }
0x302: {  	_ =	shalt  }

</sc_bundles>
